<compile_context>
chip_gen: v7x
topology: tpu7x:2x2x1
jax: 0.10.2.dev20260603
libtpu: 0.0.44.dev20260713+nightly
codegen_flags: <defaults>
</compile_context>

<pallas_src>
import functools

import jax
import jax.numpy as jnp
from jax import lax
from jax.experimental import pallas as pl
from jax.experimental.pallas import tpu as pltpu
from jax.experimental.pallas import tpu_sc as plsc

N = 10000
C = 128
NP = 10240
NPAD = NP - N
E = 320000
NW = 32
B = 128
NB = 80
EPW = NB * B
EP = NW * EPW
STRIPE = NP // 16
HNP = NP // 2
HSTRIPE = HNP // 16
SLOPE = (1.0 / 8.0 + 1.0 / 3.0) / 2.0



def _dense_body(x_ref, pw_ref, sc_ref, w0_ref, wu_ref, uu_ref, bu_ref,
                wr_ref, ur_ref, br_ref, wh_ref, uh_ref, bh_ref,
                xw_ref, xt_ref, xk_ref):
    xv = x_ref[...]
    pw = pw_ref[...]
    xt = lax.dot_general(xv, pw, (((1,), (1,)), ((), ())))
    xt_ref[...] = xt
    scv = sc_ref[...]
    s3 = lax.dot_general(xt.reshape(NP // 128, 128, C), scv,
                         (((2,), (0,)), ((), ())))
    smat = s3[:, :, 0]
    rio = lax.broadcasted_iota(jnp.int32, (NP // 128, 128), 0)
    cio = lax.broadcasted_iota(jnp.int32, (NP // 128, 128), 1)
    flat = rio * 128 + cio
    smat = jnp.where(flat >= N, -1e30, smat)
    lane = lax.broadcasted_iota(jnp.int32, (1, 128), 1)

    def tk_body(j, carry):
        s, vals = carry
        m = jnp.max(s)
        node = jnp.min(jnp.where(s == m, flat, jnp.int32(2 ** 30)))
        s = jnp.where(flat == node, -2e30, s)
        vals = jnp.where(lane == j, m, vals)
        xk_ref[pl.ds(j, 1), :] = xt_ref[pl.ds(node, 1), :]
        return s, vals

    _, vals = lax.fori_loop(0, C, tk_body,
                            (smat, jnp.zeros((1, 128), jnp.float32)))
    snorm = jnp.sqrt(jnp.sum(scv * scv))
    tvals = jnp.tanh(vals / snorm)
    xk = xk_ref[...]
    w0 = w0_ref[...]

    def gate(wref, uref, bref, rhs):
        zw = lax.dot_general(wref[...], xk, (((1,), (1,)), ((), ()))) * tvals
        return zw + jnp.dot(uref[...], rhs) + bref[...]

    def sigm(v):
        return 1.0 / (1.0 + jnp.exp(-v))

    upd = sigm(gate(wu_ref, uu_ref, bu_ref, w0))
    rst = sigm(gate(wr_ref, ur_ref, br_ref, w0))
    hcap = jnp.tanh(gate(wh_ref, uh_ref, bh_ref, rst * w0))
    wnew = (1.0 - upd) * w0 + upd * hcap
    xw_ref[...] = jnp.dot(xt, wnew)


def _dense_call(x_pad, pool_W, scorer, W0, Wu, Uu, bu, Wr, Ur, br, Wh, Uh, bh):
    return pl.pallas_call(
        _dense_body,
        out_shape=jax.ShapeDtypeStruct((NP, C), jnp.float32),
        scratch_shapes=[pltpu.VMEM((NP, C), jnp.float32),
                        pltpu.VMEM((C, C), jnp.float32)],
    )(x_pad, pool_W, scorer, W0, Wu, Uu, bu, Wr, Ur, br, Wh, Uh, bh)



def _dinv3(hist_ref):
    h = hist_ref[...]
    deg = h[0] + h[1] + 1.0
    return lax.rsqrt(deg)[:, :, None]


def _scale_body(xw_ref, hist_ref, y_ref):
    dinv = _dinv3(hist_ref)
    y3 = xw_ref[...].reshape(NP // 128, 128, C) * dinv
    y_ref[...] = y3.reshape(NP, C)


def _scale_call(xw, hist):
    return pl.pallas_call(
        _scale_body,
        out_shape=jax.ShapeDtypeStruct((NP, C), jnp.float32),
    )(xw, hist)


def _final_body(s_ref, y_ref, hist_ref, o_ref):
    dinv = _dinv3(hist_ref)
    sv = s_ref[...]
    acc = sv[0] + sv[1] + y_ref[...]
    o = (acc.reshape(NP // 128, 128, C) * dinv).reshape(NP, C)
    o_ref[...] = jnp.where(o >= 0.0, o, SLOPE * o)


def _final_call(spart, y, hist):
    return pl.pallas_call(
        _final_body,
        out_shape=jax.ShapeDtypeStruct((NP, C), jnp.float32),
    )(spart, y, hist)




@functools.cache
def _sc_hist_kernel():
    mesh = plsc.VectorSubcoreMesh(core_axis_name="c", subcore_axis_name="s")
    return pl.kernel(
        _sc_hist_body,
        out_type=jax.ShapeDtypeStruct((2, NP, C), jnp.float32),
        mesh=mesh,
        scratch_types=[
            pltpu.VMEM((B,), jnp.int32),
            pltpu.VMEM((B,), jnp.int32),
            pltpu.VMEM((B, C), jnp.float32),
            pltpu.VMEM_SHARED((NP, C), jnp.float32),
            pltpu.SemaphoreType.DMA,
            pltpu.SemaphoreType.DMA,
        ],
    )


def _sc_hist_body(dst_hbm, ones_hbm, zeros_hbm, out_hbm,
                  idxa, idxb, ones_v, hist_sh, sem, semb):
    c = lax.axis_index("c")
    s = lax.axis_index("s")
    wid = s * 2 + c
    pltpu.sync_copy(zeros_hbm, hist_sh.at[pl.ds(s * STRIPE, STRIPE)])
    pltpu.sync_copy(ones_hbm, ones_v)
    plsc.subcore_barrier()
    base = wid * EPW
    pltpu.sync_copy(dst_hbm.at[pl.ds(base, B)], idxa)
    pltpu.async_copy(ones_v, hist_sh.at[idxa], sem, add=True)

    def body(i, carry):
        j = i * 2
        pltpu.sync_copy(dst_hbm.at[pl.ds(base + (j + 1) * B, B)], idxb)
        pltpu.async_copy(ones_v, hist_sh.at[idxb], semb, add=True)
        pltpu.make_async_copy(ones_v, hist_sh.at[idxa], sem).wait()

        @pl.when(j + 2 < NB)
        def _():
            pltpu.sync_copy(dst_hbm.at[pl.ds(base + (j + 2) * B, B)], idxa)
            pltpu.async_copy(ones_v, hist_sh.at[idxa], sem, add=True)

        pltpu.make_async_copy(ones_v, hist_sh.at[idxb], semb).wait()
        return carry

    lax.fori_loop(0, NB // 2, body, 0)
    plsc.subcore_barrier()
    pltpu.sync_copy(hist_sh.at[pl.ds(s * STRIPE, STRIPE)],
                    out_hbm.at[c, pl.ds(s * STRIPE, STRIPE)])


@functools.cache
def _sc_scatter_kernel():
    mesh = plsc.VectorSubcoreMesh(core_axis_name="c", subcore_axis_name="s")
    return pl.kernel(
        _sc_scatter_body,
        out_type=jax.ShapeDtypeStruct((2, NP, C), jnp.float32),
        mesh=mesh,
        scratch_types=[
            pltpu.VMEM((2, B), jnp.int32),
            pltpu.VMEM((2, B), jnp.int32),
            pltpu.VMEM((B, C), jnp.float32),
            pltpu.VMEM((B, C), jnp.float32),
            pltpu.VMEM_SHARED((NP, C), jnp.float32),
            pltpu.SemaphoreType.DMA,
            pltpu.SemaphoreType.DMA,
        ],
    )


def _sc_scatter_body(y_hbm, sd_hbm, zrow_hbm, out_hbm,
                     idxa, idxb, rows0, rows1, acc_sh, sem0, sem1):
    c = lax.axis_index("c")
    s = lax.axis_index("s")
    wid = s * 2 + c
    pltpu.sync_copy(zrow_hbm, acc_sh.at[pl.ds(s * STRIPE, STRIPE)])
    plsc.subcore_barrier()
    pltpu.sync_copy(sd_hbm.at[wid, 0], idxa)
    pltpu.async_copy(y_hbm.at[idxa.at[0]], rows0, sem0)

    def body(i, carry):
        j = i * 2
        pltpu.sync_copy(sd_hbm.at[wid, j + 1], idxb)
        pltpu.async_copy(y_hbm.at[idxb.at[0]], rows1, sem1)
        pltpu.make_async_copy(y_hbm.at[idxa.at[0]], rows0, sem0).wait()
        pltpu.sync_copy(rows0, acc_sh.at[idxa.at[1]], add=True)

        @pl.when(j + 2 < NB)
        def _():
            pltpu.sync_copy(sd_hbm.at[wid, j + 2], idxa)
            pltpu.async_copy(y_hbm.at[idxa.at[0]], rows0, sem0)

        pltpu.make_async_copy(y_hbm.at[idxb.at[0]], rows1, sem1).wait()
        pltpu.sync_copy(rows1, acc_sh.at[idxb.at[1]], add=True)
        return carry

    lax.fori_loop(0, NB // 2, body, 0)
    plsc.subcore_barrier()
    pltpu.sync_copy(acc_sh.at[pl.ds(s * STRIPE, STRIPE)],
                    out_hbm.at[c, pl.ds(s * STRIPE, STRIPE)])



def kernel(x, edge_index, pool_W, scorer, W0, Wu, Uu, bu, Wr, Ur, br,
           Wh, Uh, bh):
    x_pad = jnp.pad(x, ((0, NPAD), (0, 0)))
    padi = N + (jnp.arange(EP - E, dtype=jnp.int32) % NPAD)
    src = jnp.concatenate([edge_index[0], padi])
    dst = jnp.concatenate([edge_index[1], padi])
    ones = jnp.ones((B, C), jnp.float32)
    zr = jnp.zeros((STRIPE, C), jnp.float32)

    hist_full = _sc_hist_kernel()(dst, ones, zr)
    xw = _dense_call(x_pad, pool_W, scorer, W0, Wu, Uu, bu,
                     Wr, Ur, br, Wh, Uh, bh)
    hist = hist_full[:, :, 0].reshape(2, NP // 128, 128)
    y = _scale_call(xw, hist)
    sd = jnp.stack([src.reshape(NW, NB, B), dst.reshape(NW, NB, B)], axis=2)
    spart = _sc_scatter_kernel()(y, sd, zr)
    out = _final_call(spart, y, hist)
    return out[:N]

# --- scband reference (transcript-rebuilt; emitter-appended) ---
"""Pipeline reference for scband-evolve-gcnh-40922448396496 (READ-ONLY COPY).

The authoritative reference and input builder live on the scoring server;
editing this copy changes nothing except your own understanding.
"""

import jax, jax.numpy as jnp
import numpy as np

N = 10000   # num_nodes
F = 128     # num_features
C = 128     # in_channels (= k of TopK)
E = 320000  # num edges
K = C

def _uniform(key, shape, fan):
    stdv = 1.0 / np.sqrt(fan)
    return jax.random.uniform(key, shape, jnp.float32, -stdv, stdv)

def setup_inputs(seed: int = 0) -> dict:
    key = jax.random.key(seed)
    ks = jax.random.split(key, 16)
    inp = {}
    inp['x'] = jax.random.normal(ks[0], (N, F), jnp.float32)
    inp['edge_index'] = jax.random.randint(ks[1], (2, E), 0, N, dtype=jnp.int32)
    # pool_layer: Linear(num_features -> in_channels, bias=False); torch weight is [out, in]
    inp['pool_W'] = _uniform(ks[2], (C, F), F)
    # TopK scorer [feats, 1], init uniform(-1/sqrt(feats), 1/sqrt(feats))
    inp['scorer'] = _uniform(ks[3], (C, 1), C)
    # initial evolving GCN weight [C, C]
    inp['W0'] = _uniform(ks[4], (C, C), C)
    # mat_GRU_cell gates: update / reset / htilda, each with W [C,C], U [C,C], bias [C,C]
    inp['Wu'] = _uniform(ks[5], (C, C), C); inp['Uu'] = _uniform(ks[6], (C, C), C); inp['bu'] = jnp.zeros((C, C), jnp.float32)
    inp['Wr'] = _uniform(ks[7], (C, C), C); inp['Ur'] = _uniform(ks[8], (C, C), C); inp['br'] = jnp.zeros((C, C), jnp.float32)
    inp['Wh'] = _uniform(ks[9], (C, C), C); inp['Uh'] = _uniform(ks[10], (C, C), C); inp['bh'] = jnp.zeros((C, C), jnp.float32)
    return inp

def reference(x, edge_index, pool_W, scorer, W0, Wu, Uu, bu, Wr, Ur, br, Wh, Uh, bh):
    # pool_layer: X_tilde = X @ pool_W^T  -> [N, C]
    X_tilde = x @ pool_W.T
    # ---- TopK (choose_topk) ----
    snorm = jnp.sqrt(jnp.sum(scorer * scorer))
    scores = (X_tilde @ scorer) / snorm            # [N, 1]
    vals, topk_idx = jax.lax.top_k(scores[:, 0], K)
    z_topk = (X_tilde[topk_idx] * jnp.tanh(scores[topk_idx, 0])[:, None]).T  # [C, K] = [C, C]
    # ---- mat_GRU_cell: evolve W ----
    update = jax.nn.sigmoid(Wu @ z_topk + Uu @ W0 + bu)
    reset = jax.nn.sigmoid(Wr @ z_topk + Ur @ W0 + br)
    h_cap = jnp.tanh(Wh @ z_topk + Uh @ (reset * W0) + bh)
    W_new = (1.0 - update) * W0 + update * h_cap   # [C, C]
    # ---- GCNConv_Fixed_W: symmetric-normalized conv with fixed weight W_new ----
    Xw = X_tilde @ W_new                           # [N, C]
    self_loops = jnp.arange(N, dtype=edge_index.dtype)
    src = jnp.concatenate([edge_index[0], self_loops])
    dst = jnp.concatenate([edge_index[1], self_loops])
    ones = jnp.ones(src.shape[0], jnp.float32)
    deg = jnp.zeros(N, jnp.float32).at[dst].add(ones)
    dinv = jnp.where(deg > 0, 1.0 / jnp.sqrt(deg), 0.0)
    norm = dinv[src] * dinv[dst]                   # [E+N]
    msg = Xw[src] * norm[:, None]
    out = jnp.zeros((N, C), jnp.float32).at[dst].add(msg)
    # RReLU in eval mode == leaky relu with slope (lower+upper)/2 = (1/8 + 1/3)/2
    slope = (1.0 / 8.0 + 1.0 / 3.0) / 2.0
    out = jnp.where(out >= 0, out, slope * out)
    return out

if __name__ == "__main__":
    import jax
    _d = setup_inputs()
    print(jax.jit(kernel)(*tuple(_d.values())))

</pallas_src>

<mosaic_0001>
#map = affine_map<(d0, d1) -> (0, 0)>
#map1 = affine_map<(d0, d1) -> (0, 0, 0, 0)>
#map2 = affine_map<(d0, d1) -> (0, 0, 0)>
module attributes {stable_mosaic.version = 14 : i64} {
  func.func @_sc_scatter_body(%arg0: i32, %arg1: i32, %arg2: memref<10240x128xf32, #tpu.memory_space<hbm>>, %arg3: memref<32x80x2x128xi32, #tpu.memory_space<hbm>>, %arg4: memref<640x128xf32, #tpu.memory_space<hbm>>, %arg5: memref<2x10240x128xf32, #tpu.memory_space<hbm>>, %arg6: memref<2x128xi32, #tpu.memory_space<vmem>>, %arg7: memref<2x128xi32, #tpu.memory_space<vmem>>, %arg8: memref<128x128xf32, #tpu.memory_space<vmem>>, %arg9: memref<128x128xf32, #tpu.memory_space<vmem>>, %arg10: memref<10240x128xf32, #tpu.memory_space<vmem_shared>>, %arg11: memref<!tpu.dma_semaphore, #tpu.memory_space<semaphore_mem>>, %arg12: memref<!tpu.dma_semaphore, #tpu.memory_space<semaphore_mem>>) attributes {dimension_semantics = [#tpu.dimension_semantics<core_parallel>, #tpu.dimension_semantics<subcore_parallel>], iteration_bounds = array<i64: 2, 16>, scalar_prefetch = 0 : i64, scratch_operands = 7 : i64, tpu.core_type = #tpu.core_type<sc_vector_subcore>, window_params = [{transform_indices = #map}, {transform_indices = #map1}, {transform_indices = #map}, {transform_indices = #map2}]} {
    %mul3A = arith.constant 2 : i32
    %mul3A_0 = arith.muli %arg1, %mul3A : i32
    %add3A = arith.addi %mul3A_0, %arg0 : i32
    %mul3A_1 = arith.constant 640 : i32
    %mul3A_2 = arith.muli %arg1, %mul3A_1 : i32
    "tpu.region"() ({
      %run_scoped3A_19 = tpu.sem_alloc : memref<!tpu.dma_semaphore, #tpu.memory_space<semaphore_mem>>
      %dma_start3A_20 = arith.constant 0 : i32
      %dma_start3A_21 = tpu.memref_slice %arg10[%mul3A_2, %dma_start3A_20] : memref<10240x128xf32, #tpu.memory_space<vmem_shared>> -> memref<640x128xf32, #tpu.memory_space<vmem_shared>>
      tpu.enqueue_dma source(%arg4 : memref<640x128xf32, #tpu.memory_space<hbm>>) target(%dma_start3A_21 : memref<640x128xf32, #tpu.memory_space<vmem_shared>>) target_semaphore(%run_scoped3A_19 : memref<!tpu.dma_semaphore, #tpu.memory_space<semaphore_mem>>)
      %dma_wait3A = arith.constant 0 : i32
      %dma_wait3A_22 = tpu.memref_slice %arg10[%mul3A_2, %dma_wait3A] : memref<10240x128xf32, #tpu.memory_space<vmem_shared>> -> memref<640x128xf32, #tpu.memory_space<vmem_shared>>
      tpu.wait_dma2 semaphore(%run_scoped3A_19 : memref<!tpu.dma_semaphore, #tpu.memory_space<semaphore_mem>>) src(%arg4 : memref<640x128xf32, #tpu.memory_space<hbm>>) dst(%dma_wait3A_22 : memref<640x128xf32, #tpu.memory_space<vmem_shared>>)
      tpu.yield
    }) : () -> ()
    %barrier3A = arith.constant 0 : index
    tpu.barrier barrier_id(%barrier3A)
    %run_scoped3A = arith.constant 0 : i32
    "tpu.region"() ({
      %run_scoped3A_19 = tpu.sem_alloc : memref<!tpu.dma_semaphore, #tpu.memory_space<semaphore_mem>>
      %dma_start3A_20 = arith.constant 0 : i32
      %dma_start3A_21 = arith.constant 0 : i32
      %dma_start3A_22 = tpu.memref_slice %arg3[%add3A, %run_scoped3A, %dma_start3A_20, %dma_start3A_21] : memref<32x80x2x128xi32, #tpu.memory_space<hbm>> -> memref<1x1x2x128xi32, #tpu.memory_space<hbm>>
      %dma_start3A_23 = tpu.memref_squeeze %dma_start3A_22 : memref<1x1x2x128xi32, #tpu.memory_space<hbm>> -> memref<2x128xi32, #tpu.memory_space<hbm>>
      %dma_start3A_24 = arith.constant 0 : i32
      %dma_start3A_25 = arith.constant 0 : i32
      %dma_start3A_26 = tpu.memref_slice %arg3[%add3A, %run_scoped3A, %dma_start3A_24, %dma_start3A_25] : memref<32x80x2x128xi32, #tpu.memory_space<hbm>> -> memref<1x1x2x128xi32, #tpu.memory_space<hbm>>
      %dma_start3A_27 = tpu.memref_squeeze %dma_start3A_26 : memref<1x1x2x128xi32, #tpu.memory_space<hbm>> -> memref<2x128xi32, #tpu.memory_space<hbm>>
      tpu.enqueue_dma source(%dma_start3A_27 : memref<2x128xi32, #tpu.memory_space<hbm>>) target(%arg6 : memref<2x128xi32, #tpu.memory_space<vmem>>) target_semaphore(%run_scoped3A_19 : memref<!tpu.dma_semaphore, #tpu.memory_space<semaphore_mem>>)
      %dma_wait3A = arith.constant 0 : i32
      %dma_wait3A_28 = arith.constant 0 : i32
      %dma_wait3A_29 = tpu.memref_slice %arg3[%add3A, %run_scoped3A, %dma_wait3A, %dma_wait3A_28] : memref<32x80x2x128xi32, #tpu.memory_space<hbm>> -> memref<1x1x2x128xi32, #tpu.memory_space<hbm>>
      %dma_wait3A_30 = tpu.memref_squeeze %dma_wait3A_29 : memref<1x1x2x128xi32, #tpu.memory_space<hbm>> -> memref<2x128xi32, #tpu.memory_space<hbm>>
      %dma_wait3A_31 = arith.constant 0 : i32
      %dma_wait3A_32 = arith.constant 0 : i32
      %dma_wait3A_33 = tpu.memref_slice %arg3[%add3A, %run_scoped3A, %dma_wait3A_31, %dma_wait3A_32] : memref<32x80x2x128xi32, #tpu.memory_space<hbm>> -> memref<1x1x2x128xi32, #tpu.memory_space<hbm>>
      %dma_wait3A_34 = tpu.memref_squeeze %dma_wait3A_33 : memref<1x1x2x128xi32, #tpu.memory_space<hbm>> -> memref<2x128xi32, #tpu.memory_space<hbm>>
      tpu.wait_dma2 semaphore(%run_scoped3A_19 : memref<!tpu.dma_semaphore, #tpu.memory_space<semaphore_mem>>) src(%dma_wait3A_34 : memref<2x128xi32, #tpu.memory_space<hbm>>) dst(%arg6 : memref<2x128xi32, #tpu.memory_space<vmem>>)
      tpu.yield
    }) : () -> ()
    %dma_start3A = arith.constant 0 : i32
    %dma_start3A_3 = arith.constant 0 : i32
    %dma_start3A_4 = tpu.memref_slice %arg6[%dma_start3A, %dma_start3A_3] : memref<2x128xi32, #tpu.memory_space<vmem>> -> memref<1x128xi32, #tpu.memory_space<vmem>>
    %dma_start3A_5 = tpu.memref_squeeze %dma_start3A_4 : memref<1x128xi32, #tpu.memory_space<vmem>> -> memref<128xi32, #tpu.memory_space<vmem>>
    %dma_start3A_6 = arith.constant 0 : i32
    %dma_start3A_7 = arith.constant 0 : i32
    %dma_start3A_8 = tpu.memref_slice %arg2[%dma_start3A_6, %dma_start3A_7] : memref<10240x128xf32, #tpu.memory_space<hbm>> -> memref<10240x128xf32, #tpu.memory_space<hbm>>
    tpu.enqueue_indirect_dma source(%dma_start3A_8 : memref<10240x128xf32, #tpu.memory_space<hbm>>) target(%arg8 : memref<128x128xf32, #tpu.memory_space<vmem>>) offsets(%dma_start3A_5 : memref<128xi32, #tpu.memory_space<vmem>>) semaphore(%arg11 : memref<!tpu.dma_semaphore, #tpu.memory_space<semaphore_mem>>)
    %scan3A = arith.constant 0 : i32
    %scan3A_9 = arith.constant 0 : i32
    %scan3A_10 = arith.constant 40 : i32
    %scan3A_11 = arith.addi %scan3A_9, %scan3A_10 : i32
    %scan3A_12 = arith.constant 1 : i32
    scf.for %scan3A_19 = %scan3A_9 to %scan3A_11 step %scan3A_12  : i32 {
      %mul3A_20 = arith.constant 2 : i32
      %mul3A_21 = arith.muli %scan3A_19, %mul3A_20 : i32
      %add3A_22 = arith.constant 1 : i32
      %add3A_23 = arith.addi %mul3A_21, %add3A_22 : i32
      "tpu.region"() ({
        %run_scoped3A_50 = tpu.sem_alloc : memref<!tpu.dma_semaphore, #tpu.memory_space<semaphore_mem>>
        %dma_start3A_51 = arith.constant 0 : i32
        %dma_start3A_52 = arith.constant 0 : i32
        %dma_start3A_53 = tpu.memref_slice %arg3[%add3A, %add3A_23, %dma_start3A_51, %dma_start3A_52] : memref<32x80x2x128xi32, #tpu.memory_space<hbm>> -> memref<1x1x2x128xi32, #tpu.memory_space<hbm>>
        %dma_start3A_54 = tpu.memref_squeeze %dma_start3A_53 : memref<1x1x2x128xi32, #tpu.memory_space<hbm>> -> memref<2x128xi32, #tpu.memory_space<hbm>>
        %dma_start3A_55 = arith.constant 0 : i32
        %dma_start3A_56 = arith.constant 0 : i32
        %dma_start3A_57 = tpu.memref_slice %arg3[%add3A, %add3A_23, %dma_start3A_55, %dma_start3A_56] : memref<32x80x2x128xi32, #tpu.memory_space<hbm>> -> memref<1x1x2x128xi32, #tpu.memory_space<hbm>>
        %dma_start3A_58 = tpu.memref_squeeze %dma_start3A_57 : memref<1x1x2x128xi32, #tpu.memory_space<hbm>> -> memref<2x128xi32, #tpu.memory_space<hbm>>
        tpu.enqueue_dma source(%dma_start3A_58 : memref<2x128xi32, #tpu.memory_space<hbm>>) target(%arg7 : memref<2x128xi32, #tpu.memory_space<vmem>>) target_semaphore(%run_scoped3A_50 : memref<!tpu.dma_semaphore, #tpu.memory_space<semaphore_mem>>)
        %dma_wait3A_59 = arith.constant 0 : i32
        %dma_wait3A_60 = arith.constant 0 : i32
        %dma_wait3A_61 = tpu.memref_slice %arg3[%add3A, %add3A_23, %dma_wait3A_59, %dma_wait3A_60] : memref<32x80x2x128xi32, #tpu.memory_space<hbm>> -> memref<1x1x2x128xi32, #tpu.memory_space<hbm>>
        %dma_wait3A_62 = tpu.memref_squeeze %dma_wait3A_61 : memref<1x1x2x128xi32, #tpu.memory_space<hbm>> -> memref<2x128xi32, #tpu.memory_space<hbm>>
        %dma_wait3A_63 = arith.constant 0 : i32
        %dma_wait3A_64 = arith.constant 0 : i32
        %dma_wait3A_65 = tpu.memref_slice %arg3[%add3A, %add3A_23, %dma_wait3A_63, %dma_wait3A_64] : memref<32x80x2x128xi32, #tpu.memory_space<hbm>> -> memref<1x1x2x128xi32, #tpu.memory_space<hbm>>
        %dma_wait3A_66 = tpu.memref_squeeze %dma_wait3A_65 : memref<1x1x2x128xi32, #tpu.memory_space<hbm>> -> memref<2x128xi32, #tpu.memory_space<hbm>>
        tpu.wait_dma2 semaphore(%run_scoped3A_50 : memref<!tpu.dma_semaphore, #tpu.memory_space<semaphore_mem>>) src(%dma_wait3A_66 : memref<2x128xi32, #tpu.memory_space<hbm>>) dst(%arg7 : memref<2x128xi32, #tpu.memory_space<vmem>>)
        tpu.yield
      }) : () -> ()
      %dma_start3A_24 = arith.constant 0 : i32
      %dma_start3A_25 = arith.constant 0 : i32
      %dma_start3A_26 = tpu.memref_slice %arg7[%dma_start3A_24, %dma_start3A_25] : memref<2x128xi32, #tpu.memory_space<vmem>> -> memref<1x128xi32, #tpu.memory_space<vmem>>
      %dma_start3A_27 = tpu.memref_squeeze %dma_start3A_26 : memref<1x128xi32, #tpu.memory_space<vmem>> -> memref<128xi32, #tpu.memory_space<vmem>>
      %dma_start3A_28 = arith.constant 0 : i32
      %dma_start3A_29 = arith.constant 0 : i32
      %dma_start3A_30 = tpu.memref_slice %arg2[%dma_start3A_28, %dma_start3A_29] : memref<10240x128xf32, #tpu.memory_space<hbm>> -> memref<10240x128xf32, #tpu.memory_space<hbm>>
      tpu.enqueue_indirect_dma source(%dma_start3A_30 : memref<10240x128xf32, #tpu.memory_space<hbm>>) target(%arg9 : memref<128x128xf32, #tpu.memory_space<vmem>>) offsets(%dma_start3A_27 : memref<128xi32, #tpu.memory_space<vmem>>) semaphore(%arg12 : memref<!tpu.dma_semaphore, #tpu.memory_space<semaphore_mem>>)
      %dma_wait3A = arith.constant 0 : i32
      %dma_wait3A_31 = arith.constant 0 : i32
      %dma_wait3A_32 = tpu.memref_slice %arg6[%dma_wait3A, %dma_wait3A_31] : memref<2x128xi32, #tpu.memory_space<vmem>> -> memref<1x128xi32, #tpu.memory_space<vmem>>
      %dma_wait3A_33 = tpu.memref_squeeze %dma_wait3A_32 : memref<1x128xi32, #tpu.memory_space<vmem>> -> memref<128xi32, #tpu.memory_space<vmem>>
      %dma_wait3A_34 = arith.constant 0 : i32
      %dma_wait3A_35 = arith.constant 0 : i32
      %dma_wait3A_36 = tpu.memref_slice %arg2[%dma_wait3A_34, %dma_wait3A_35] : memref<10240x128xf32, #tpu.memory_space<hbm>> -> memref<10240x128xf32, #tpu.memory_space<hbm>>
      tpu.wait_indirect_dma semaphore(%arg11 : memref<!tpu.dma_semaphore, #tpu.memory_space<semaphore_mem>>) src(%dma_wait3A_36 : memref<10240x128xf32, #tpu.memory_space<hbm>>) dst(%arg8 : memref<128x128xf32, #tpu.memory_space<vmem>>)
      %run_scoped3A_37 = arith.constant 1 : i32
      "tpu.region"() ({
        %run_scoped3A_50 = tpu.sem_alloc : memref<!tpu.dma_semaphore, #tpu.memory_space<semaphore_mem>>
        %dma_start3A_51 = arith.constant 0 : i32
        %dma_start3A_52 = tpu.memref_slice %arg6[%run_scoped3A_37, %dma_start3A_51] : memref<2x128xi32, #tpu.memory_space<vmem>> -> memref<1x128xi32, #tpu.memory_space<vmem>>
        %dma_start3A_53 = tpu.memref_squeeze %dma_start3A_52 : memref<1x128xi32, #tpu.memory_space<vmem>> -> memref<128xi32, #tpu.memory_space<vmem>>
        %dma_start3A_54 = arith.constant 0 : i32
        %dma_start3A_55 = arith.constant 0 : i32
        %dma_start3A_56 = tpu.memref_slice %arg10[%dma_start3A_54, %dma_start3A_55] : memref<10240x128xf32, #tpu.memory_space<vmem_shared>> -> memref<10240x128xf32, #tpu.memory_space<vmem_shared>>
        tpu.enqueue_indirect_dma source(%arg8 : memref<128x128xf32, #tpu.memory_space<vmem>>) target(%dma_start3A_56 : memref<10240x128xf32, #tpu.memory_space<vmem_shared>>) offsets(%dma_start3A_53 : memref<128xi32, #tpu.memory_space<vmem>>) semaphore(%run_scoped3A_50 : memref<!tpu.dma_semaphore, #tpu.memory_space<semaphore_mem>>) {add = true}
        %dma_wait3A_57 = arith.constant 0 : i32
        %dma_wait3A_58 = tpu.memref_slice %arg6[%run_scoped3A_37, %dma_wait3A_57] : memref<2x128xi32, #tpu.memory_space<vmem>> -> memref<1x128xi32, #tpu.memory_space<vmem>>
        %dma_wait3A_59 = tpu.memref_squeeze %dma_wait3A_58 : memref<1x128xi32, #tpu.memory_space<vmem>> -> memref<128xi32, #tpu.memory_space<vmem>>
        %dma_wait3A_60 = arith.constant 0 : i32
        %dma_wait3A_61 = arith.constant 0 : i32
        %dma_wait3A_62 = tpu.memref_slice %arg10[%dma_wait3A_60, %dma_wait3A_61] : memref<10240x128xf32, #tpu.memory_space<vmem_shared>> -> memref<10240x128xf32, #tpu.memory_space<vmem_shared>>
        tpu.wait_indirect_dma semaphore(%run_scoped3A_50 : memref<!tpu.dma_semaphore, #tpu.memory_space<semaphore_mem>>) src(%arg8 : memref<128x128xf32, #tpu.memory_space<vmem>>) dst(%dma_wait3A_62 : memref<10240x128xf32, #tpu.memory_space<vmem_shared>>)
        tpu.yield
      }) : () -> ()
      %add3A_38 = arith.constant 2 : i32
      %add3A_39 = arith.addi %mul3A_21, %add3A_38 : i32
      %lt3A = arith.constant 80 : i32
      %lt3A_40 = arith.cmpi slt, %add3A_39, %lt3A : i32
      %convert_element_type3A = arith.extui %lt3A_40 : i1 to i32
      %cond3A = arith.constant 0 : i32
      %cond3A_41 = arith.cmpi ne, %convert_element_type3A, %cond3A : i32
      scf.if %cond3A_41 {
        %add3A_50 = arith.constant 2 : i32
        %add3A_51 = arith.addi %mul3A_21, %add3A_50 : i32
        "tpu.region"() ({
          %run_scoped3A_59 = tpu.sem_alloc : memref<!tpu.dma_semaphore, #tpu.memory_space<semaphore_mem>>
          %dma_start3A_60 = arith.constant 0 : i32
          %dma_start3A_61 = arith.constant 0 : i32
          %dma_start3A_62 = tpu.memref_slice %arg3[%add3A, %add3A_51, %dma_start3A_60, %dma_start3A_61] : memref<32x80x2x128xi32, #tpu.memory_space<hbm>> -> memref<1x1x2x128xi32, #tpu.memory_space<hbm>>
          %dma_start3A_63 = tpu.memref_squeeze %dma_start3A_62 : memref<1x1x2x128xi32, #tpu.memory_space<hbm>> -> memref<2x128xi32, #tpu.memory_space<hbm>>
          %dma_start3A_64 = arith.constant 0 : i32
          %dma_start3A_65 = arith.constant 0 : i32
          %dma_start3A_66 = tpu.memref_slice %arg3[%add3A, %add3A_51, %dma_start3A_64, %dma_start3A_65] : memref<32x80x2x128xi32, #tpu.memory_space<hbm>> -> memref<1x1x2x128xi32, #tpu.memory_space<hbm>>
          %dma_start3A_67 = tpu.memref_squeeze %dma_start3A_66 : memref<1x1x2x128xi32, #tpu.memory_space<hbm>> -> memref<2x128xi32, #tpu.memory_space<hbm>>
          tpu.enqueue_dma source(%dma_start3A_67 : memref<2x128xi32, #tpu.memory_space<hbm>>) target(%arg6 : memref<2x128xi32, #tpu.memory_space<vmem>>) target_semaphore(%run_scoped3A_59 : memref<!tpu.dma_semaphore, #tpu.memory_space<semaphore_mem>>)
          %dma_wait3A_68 = arith.constant 0 : i32
          %dma_wait3A_69 = arith.constant 0 : i32
          %dma_wait3A_70 = tpu.memref_slice %arg3[%add3A, %add3A_51, %dma_wait3A_68, %dma_wait3A_69] : memref<32x80x2x128xi32, #tpu.memory_space<hbm>> -> memref<1x1x2x128xi32, #tpu.memory_space<hbm>>
          %dma_wait3A_71 = tpu.memref_squeeze %dma_wait3A_70 : memref<1x1x2x128xi32, #tpu.memory_space<hbm>> -> memref<2x128xi32, #tpu.memory_space<hbm>>
          %dma_wait3A_72 = arith.constant 0 : i32
          %dma_wait3A_73 = arith.constant 0 : i32
          %dma_wait3A_74 = tpu.memref_slice %arg3[%add3A, %add3A_51, %dma_wait3A_72, %dma_wait3A_73] : memref<32x80x2x128xi32, #tpu.memory_space<hbm>> -> memref<1x1x2x128xi32, #tpu.memory_space<hbm>>
          %dma_wait3A_75 = tpu.memref_squeeze %dma_wait3A_74 : memref<1x1x2x128xi32, #tpu.memory_space<hbm>> -> memref<2x128xi32, #tpu.memory_space<hbm>>
          tpu.wait_dma2 semaphore(%run_scoped3A_59 : memref<!tpu.dma_semaphore, #tpu.memory_space<semaphore_mem>>) src(%dma_wait3A_75 : memref<2x128xi32, #tpu.memory_space<hbm>>) dst(%arg6 : memref<2x128xi32, #tpu.memory_space<vmem>>)
          tpu.yield
        }) : () -> ()
        %dma_start3A_52 = arith.constant 0 : i32
        %dma_start3A_53 = arith.constant 0 : i32
        %dma_start3A_54 = tpu.memref_slice %arg6[%dma_start3A_52, %dma_start3A_53] : memref<2x128xi32, #tpu.memory_space<vmem>> -> memref<1x128xi32, #tpu.memory_space<vmem>>
        %dma_start3A_55 = tpu.memref_squeeze %dma_start3A_54 : memref<1x128xi32, #tpu.memory_space<vmem>> -> memref<128xi32, #tpu.memory_space<vmem>>
        %dma_start3A_56 = arith.constant 0 : i32
        %dma_start3A_57 = arith.constant 0 : i32
        %dma_start3A_58 = tpu.memref_slice %arg2[%dma_start3A_56, %dma_start3A_57] : memref<10240x128xf32, #tpu.memory_space<hbm>> -> memref<10240x128xf32, #tpu.memory_space<hbm>>
        tpu.enqueue_indirect_dma source(%dma_start3A_58 : memref<10240x128xf32, #tpu.memory_space<hbm>>) target(%arg8 : memref<128x128xf32, #tpu.memory_space<vmem>>) offsets(%dma_start3A_55 : memref<128xi32, #tpu.memory_space<vmem>>) semaphore(%arg11 : memref<!tpu.dma_semaphore, #tpu.memory_space<semaphore_mem>>)
      } else {
      }
      %dma_wait3A_42 = arith.constant 0 : i32
      %dma_wait3A_43 = arith.constant 0 : i32
      %dma_wait3A_44 = tpu.memref_slice %arg7[%dma_wait3A_42, %dma_wait3A_43] : memref<2x128xi32, #tpu.memory_space<vmem>> -> memref<1x128xi32, #tpu.memory_space<vmem>>
      %dma_wait3A_45 = tpu.memref_squeeze %dma_wait3A_44 : memref<1x128xi32, #tpu.memory_space<vmem>> -> memref<128xi32, #tpu.memory_space<vmem>>
      %dma_wait3A_46 = arith.constant 0 : i32
      %dma_wait3A_47 = arith.constant 0 : i32
      %dma_wait3A_48 = tpu.memref_slice %arg2[%dma_wait3A_46, %dma_wait3A_47] : memref<10240x128xf32, #tpu.memory_space<hbm>> -> memref<10240x128xf32, #tpu.memory_space<hbm>>
      tpu.wait_indirect_dma semaphore(%arg12 : memref<!tpu.dma_semaphore, #tpu.memory_space<semaphore_mem>>) src(%dma_wait3A_48 : memref<10240x128xf32, #tpu.memory_space<hbm>>) dst(%arg9 : memref<128x128xf32, #tpu.memory_space<vmem>>)
      %run_scoped3A_49 = arith.constant 1 : i32
      "tpu.region"() ({
        %run_scoped3A_50 = tpu.sem_alloc : memref<!tpu.dma_semaphore, #tpu.memory_space<semaphore_mem>>
        %dma_start3A_51 = arith.constant 0 : i32
        %dma_start3A_52 = tpu.memref_slice %arg7[%run_scoped3A_49, %dma_start3A_51] : memref<2x128xi32, #tpu.memory_space<vmem>> -> memref<1x128xi32, #tpu.memory_space<vmem>>
        %dma_start3A_53 = tpu.memref_squeeze %dma_start3A_52 : memref<1x128xi32, #tpu.memory_space<vmem>> -> memref<128xi32, #tpu.memory_space<vmem>>
        %dma_start3A_54 = arith.constant 0 : i32
        %dma_start3A_55 = arith.constant 0 : i32
        %dma_start3A_56 = tpu.memref_slice %arg10[%dma_start3A_54, %dma_start3A_55] : memref<10240x128xf32, #tpu.memory_space<vmem_shared>> -> memref<10240x128xf32, #tpu.memory_space<vmem_shared>>
        tpu.enqueue_indirect_dma source(%arg9 : memref<128x128xf32, #tpu.memory_space<vmem>>) target(%dma_start3A_56 : memref<10240x128xf32, #tpu.memory_space<vmem_shared>>) offsets(%dma_start3A_53 : memref<128xi32, #tpu.memory_space<vmem>>) semaphore(%run_scoped3A_50 : memref<!tpu.dma_semaphore, #tpu.memory_space<semaphore_mem>>) {add = true}
        %dma_wait3A_57 = arith.constant 0 : i32
        %dma_wait3A_58 = tpu.memref_slice %arg7[%run_scoped3A_49, %dma_wait3A_57] : memref<2x128xi32, #tpu.memory_space<vmem>> -> memref<1x128xi32, #tpu.memory_space<vmem>>
        %dma_wait3A_59 = tpu.memref_squeeze %dma_wait3A_58 : memref<1x128xi32, #tpu.memory_space<vmem>> -> memref<128xi32, #tpu.memory_space<vmem>>
        %dma_wait3A_60 = arith.constant 0 : i32
        %dma_wait3A_61 = arith.constant 0 : i32
        %dma_wait3A_62 = tpu.memref_slice %arg10[%dma_wait3A_60, %dma_wait3A_61] : memref<10240x128xf32, #tpu.memory_space<vmem_shared>> -> memref<10240x128xf32, #tpu.memory_space<vmem_shared>>
        tpu.wait_indirect_dma semaphore(%run_scoped3A_50 : memref<!tpu.dma_semaphore, #tpu.memory_space<semaphore_mem>>) src(%arg9 : memref<128x128xf32, #tpu.memory_space<vmem>>) dst(%dma_wait3A_62 : memref<10240x128xf32, #tpu.memory_space<vmem_shared>>)
        tpu.yield
      }) : () -> ()
    }
    %scan3A_13 = arith.constant 40 : i32
    %barrier3A_14 = arith.constant 0 : index
    tpu.barrier barrier_id(%barrier3A_14)
    %mul3A_15 = arith.constant 640 : i32
    %mul3A_16 = arith.muli %arg1, %mul3A_15 : i32
    %mul3A_17 = arith.constant 640 : i32
    %mul3A_18 = arith.muli %arg1, %mul3A_17 : i32
    "tpu.region"() ({
      %run_scoped3A_19 = tpu.sem_alloc : memref<!tpu.dma_semaphore, #tpu.memory_space<semaphore_mem>>
      %dma_start3A_20 = arith.constant 0 : i32
      %dma_start3A_21 = tpu.memref_slice %arg5[%arg0, %mul3A_18, %dma_start3A_20] : memref<2x10240x128xf32, #tpu.memory_space<hbm>> -> memref<1x640x128xf32, #tpu.memory_space<hbm>>
      %dma_start3A_22 = tpu.memref_squeeze %dma_start3A_21 : memref<1x640x128xf32, #tpu.memory_space<hbm>> -> memref<640x128xf32, #tpu.memory_space<hbm>>
      %dma_start3A_23 = arith.constant 0 : i32
      %dma_start3A_24 = tpu.memref_slice %arg10[%mul3A_16, %dma_start3A_23] : memref<10240x128xf32, #tpu.memory_space<vmem_shared>> -> memref<640x128xf32, #tpu.memory_space<vmem_shared>>
      tpu.enqueue_dma source(%dma_start3A_24 : memref<640x128xf32, #tpu.memory_space<vmem_shared>>) target(%dma_start3A_22 : memref<640x128xf32, #tpu.memory_space<hbm>>) target_semaphore(%run_scoped3A_19 : memref<!tpu.dma_semaphore, #tpu.memory_space<semaphore_mem>>)
      %dma_wait3A = arith.constant 0 : i32
      %dma_wait3A_25 = tpu.memref_slice %arg5[%arg0, %mul3A_18, %dma_wait3A] : memref<2x10240x128xf32, #tpu.memory_space<hbm>> -> memref<1x640x128xf32, #tpu.memory_space<hbm>>
      %dma_wait3A_26 = tpu.memref_squeeze %dma_wait3A_25 : memref<1x640x128xf32, #tpu.memory_space<hbm>> -> memref<640x128xf32, #tpu.memory_space<hbm>>
      %dma_wait3A_27 = arith.constant 0 : i32
      %dma_wait3A_28 = tpu.memref_slice %arg10[%mul3A_16, %dma_wait3A_27] : memref<10240x128xf32, #tpu.memory_space<vmem_shared>> -> memref<640x128xf32, #tpu.memory_space<vmem_shared>>
      tpu.wait_dma2 semaphore(%run_scoped3A_19 : memref<!tpu.dma_semaphore, #tpu.memory_space<semaphore_mem>>) src(%dma_wait3A_28 : memref<640x128xf32, #tpu.memory_space<vmem_shared>>) dst(%dma_wait3A_26 : memref<640x128xf32, #tpu.memory_space<hbm>>)
      tpu.yield
    }) : () -> ()
    return
  }
}

#map = affine_map<(d0, d1) -> (0)>
#map1 = affine_map<(d0, d1) -> (0, 0)>
#map2 = affine_map<(d0, d1) -> (0, 0, 0)>
module attributes {stable_mosaic.version = 14 : i64} {
  func.func @_sc_hist_body(%arg0: i32, %arg1: i32, %arg2: memref<327680xi32, #tpu.memory_space<hbm>>, %arg3: memref<128x128xf32, #tpu.memory_space<hbm>>, %arg4: memref<640x128xf32, #tpu.memory_space<hbm>>, %arg5: memref<2x10240x128xf32, #tpu.memory_space<hbm>>, %arg6: memref<128xi32, #tpu.memory_space<vmem>>, %arg7: memref<128xi32, #tpu.memory_space<vmem>>, %arg8: memref<128x128xf32, #tpu.memory_space<vmem>>, %arg9: memref<10240x128xf32, #tpu.memory_space<vmem_shared>>, %arg10: memref<!tpu.dma_semaphore, #tpu.memory_space<semaphore_mem>>, %arg11: memref<!tpu.dma_semaphore, #tpu.memory_space<semaphore_mem>>) attributes {dimension_semantics = [#tpu.dimension_semantics<core_parallel>, #tpu.dimension_semantics<subcore_parallel>], iteration_bounds = array<i64: 2, 16>, scalar_prefetch = 0 : i64, scratch_operands = 6 : i64, tpu.core_type = #tpu.core_type<sc_vector_subcore>, window_params = [{transform_indices = #map}, {transform_indices = #map1}, {transform_indices = #map1}, {transform_indices = #map2}]} {
    %mul3A = arith.constant 2 : i32
    %mul3A_0 = arith.muli %arg1, %mul3A : i32
    %add3A = arith.addi %mul3A_0, %arg0 : i32
    %mul3A_1 = arith.constant 640 : i32
    %mul3A_2 = arith.muli %arg1, %mul3A_1 : i32
    "tpu.region"() ({
      %run_scoped3A = tpu.sem_alloc : memref<!tpu.dma_semaphore, #tpu.memory_space<semaphore_mem>>
      %dma_start3A_17 = arith.constant 0 : i32
      %dma_start3A_18 = tpu.memref_slice %arg9[%mul3A_2, %dma_start3A_17] : memref<10240x128xf32, #tpu.memory_space<vmem_shared>> -> memref<640x128xf32, #tpu.memory_space<vmem_shared>>
      tpu.enqueue_dma source(%arg4 : memref<640x128xf32, #tpu.memory_space<hbm>>) target(%dma_start3A_18 : memref<640x128xf32, #tpu.memory_space<vmem_shared>>) target_semaphore(%run_scoped3A : memref<!tpu.dma_semaphore, #tpu.memory_space<semaphore_mem>>)
      %dma_wait3A = arith.constant 0 : i32
      %dma_wait3A_19 = tpu.memref_slice %arg9[%mul3A_2, %dma_wait3A] : memref<10240x128xf32, #tpu.memory_space<vmem_shared>> -> memref<640x128xf32, #tpu.memory_space<vmem_shared>>
      tpu.wait_dma2 semaphore(%run_scoped3A : memref<!tpu.dma_semaphore, #tpu.memory_space<semaphore_mem>>) src(%arg4 : memref<640x128xf32, #tpu.memory_space<hbm>>) dst(%dma_wait3A_19 : memref<640x128xf32, #tpu.memory_space<vmem_shared>>)
      tpu.yield
    }) : () -> ()
    "tpu.region"() ({
      %run_scoped3A = tpu.sem_alloc : memref<!tpu.dma_semaphore, #tpu.memory_space<semaphore_mem>>
      tpu.enqueue_dma source(%arg3 : memref<128x128xf32, #tpu.memory_space<hbm>>) target(%arg8 : memref<128x128xf32, #tpu.memory_space<vmem>>) target_semaphore(%run_scoped3A : memref<!tpu.dma_semaphore, #tpu.memory_space<semaphore_mem>>)
      tpu.wait_dma2 semaphore(%run_scoped3A : memref<!tpu.dma_semaphore, #tpu.memory_space<semaphore_mem>>) src(%arg3 : memref<128x128xf32, #tpu.memory_space<hbm>>) dst(%arg8 : memref<128x128xf32, #tpu.memory_space<vmem>>)
      tpu.yield
    }) : () -> ()
    %barrier3A = arith.constant 0 : index
    tpu.barrier barrier_id(%barrier3A)
    %mul3A_3 = arith.constant 10240 : i32
    %mul3A_4 = arith.muli %add3A, %mul3A_3 : i32
    "tpu.region"() ({
      %run_scoped3A = tpu.sem_alloc : memref<!tpu.dma_semaphore, #tpu.memory_space<semaphore_mem>>
      %dma_start3A_17 = tpu.memref_slice %arg2[%mul3A_4] : memref<327680xi32, #tpu.memory_space<hbm>> -> memref<128xi32, #tpu.memory_space<hbm>>
      %dma_start3A_18 = tpu.memref_slice %arg2[%mul3A_4] : memref<327680xi32, #tpu.memory_space<hbm>> -> memref<128xi32, #tpu.memory_space<hbm>>
      tpu.enqueue_dma source(%dma_start3A_18 : memref<128xi32, #tpu.memory_space<hbm>>) target(%arg6 : memref<128xi32, #tpu.memory_space<vmem>>) target_semaphore(%run_scoped3A : memref<!tpu.dma_semaphore, #tpu.memory_space<semaphore_mem>>)
      %dma_wait3A = tpu.memref_slice %arg2[%mul3A_4] : memref<327680xi32, #tpu.memory_space<hbm>> -> memref<128xi32, #tpu.memory_space<hbm>>
      %dma_wait3A_19 = tpu.memref_slice %arg2[%mul3A_4] : memref<327680xi32, #tpu.memory_space<hbm>> -> memref<128xi32, #tpu.memory_space<hbm>>
      tpu.wait_dma2 semaphore(%run_scoped3A : memref<!tpu.dma_semaphore, #tpu.memory_space<semaphore_mem>>) src(%dma_wait3A_19 : memref<128xi32, #tpu.memory_space<hbm>>) dst(%arg6 : memref<128xi32, #tpu.memory_space<vmem>>)
      tpu.yield
    }) : () -> ()
    %dma_start3A = arith.constant 0 : i32
    %dma_start3A_5 = arith.constant 0 : i32
    %dma_start3A_6 = tpu.memref_slice %arg9[%dma_start3A, %dma_start3A_5] : memref<10240x128xf32, #tpu.memory_space<vmem_shared>> -> memref<10240x128xf32, #tpu.memory_space<vmem_shared>>
    tpu.enqueue_indirect_dma source(%arg8 : memref<128x128xf32, #tpu.memory_space<vmem>>) target(%dma_start3A_6 : memref<10240x128xf32, #tpu.memory_space<vmem_shared>>) offsets(%arg6 : memref<128xi32, #tpu.memory_space<vmem>>) semaphore(%arg10 : memref<!tpu.dma_semaphore, #tpu.memory_space<semaphore_mem>>) {add = true}
    %scan3A = arith.constant 0 : i32
    %scan3A_7 = arith.constant 0 : i32
    %scan3A_8 = arith.constant 40 : i32
    %scan3A_9 = arith.addi %scan3A_7, %scan3A_8 : i32
    %scan3A_10 = arith.constant 1 : i32
    scf.for %scan3A_17 = %scan3A_7 to %scan3A_9 step %scan3A_10  : i32 {
      %mul3A_18 = arith.constant 2 : i32
      %mul3A_19 = arith.muli %scan3A_17, %mul3A_18 : i32
      %add3A_20 = arith.constant 1 : i32
      %add3A_21 = arith.addi %mul3A_19, %add3A_20 : i32
      %mul3A_22 = arith.constant 128 : i32
      %mul3A_23 = arith.muli %add3A_21, %mul3A_22 : i32
      %add3A_24 = arith.addi %mul3A_4, %mul3A_23 : i32
      "tpu.region"() ({
        %run_scoped3A = tpu.sem_alloc : memref<!tpu.dma_semaphore, #tpu.memory_space<semaphore_mem>>
        %dma_start3A_37 = tpu.memref_slice %arg2[%add3A_24] : memref<327680xi32, #tpu.memory_space<hbm>> -> memref<128xi32, #tpu.memory_space<hbm>>
        %dma_start3A_38 = tpu.memref_slice %arg2[%add3A_24] : memref<327680xi32, #tpu.memory_space<hbm>> -> memref<128xi32, #tpu.memory_space<hbm>>
        tpu.enqueue_dma source(%dma_start3A_38 : memref<128xi32, #tpu.memory_space<hbm>>) target(%arg7 : memref<128xi32, #tpu.memory_space<vmem>>) target_semaphore(%run_scoped3A : memref<!tpu.dma_semaphore, #tpu.memory_space<semaphore_mem>>)
        %dma_wait3A_39 = tpu.memref_slice %arg2[%add3A_24] : memref<327680xi32, #tpu.memory_space<hbm>> -> memref<128xi32, #tpu.memory_space<hbm>>
        %dma_wait3A_40 = tpu.memref_slice %arg2[%add3A_24] : memref<327680xi32, #tpu.memory_space<hbm>> -> memref<128xi32, #tpu.memory_space<hbm>>
        tpu.wait_dma2 semaphore(%run_scoped3A : memref<!tpu.dma_semaphore, #tpu.memory_space<semaphore_mem>>) src(%dma_wait3A_40 : memref<128xi32, #tpu.memory_space<hbm>>) dst(%arg7 : memref<128xi32, #tpu.memory_space<vmem>>)
        tpu.yield
      }) : () -> ()
      %dma_start3A_25 = arith.constant 0 : i32
      %dma_start3A_26 = arith.constant 0 : i32
      %dma_start3A_27 = tpu.memref_slice %arg9[%dma_start3A_25, %dma_start3A_26] : memref<10240x128xf32, #tpu.memory_space<vmem_shared>> -> memref<10240x128xf32, #tpu.memory_space<vmem_shared>>
      tpu.enqueue_indirect_dma source(%arg8 : memref<128x128xf32, #tpu.memory_space<vmem>>) target(%dma_start3A_27 : memref<10240x128xf32, #tpu.memory_space<vmem_shared>>) offsets(%arg7 : memref<128xi32, #tpu.memory_space<vmem>>) semaphore(%arg11 : memref<!tpu.dma_semaphore, #tpu.memory_space<semaphore_mem>>) {add = true}
      %dma_wait3A = arith.constant 0 : i32
      %dma_wait3A_28 = arith.constant 0 : i32
      %dma_wait3A_29 = tpu.memref_slice %arg9[%dma_wait3A, %dma_wait3A_28] : memref<10240x128xf32, #tpu.memory_space<vmem_shared>> -> memref<10240x128xf32, #tpu.memory_space<vmem_shared>>
      tpu.wait_indirect_dma semaphore(%arg10 : memref<!tpu.dma_semaphore, #tpu.memory_space<semaphore_mem>>) src(%arg8 : memref<128x128xf32, #tpu.memory_space<vmem>>) dst(%dma_wait3A_29 : memref<10240x128xf32, #tpu.memory_space<vmem_shared>>)
      %add3A_30 = arith.constant 2 : i32
      %add3A_31 = arith.addi %mul3A_19, %add3A_30 : i32
      %lt3A = arith.constant 80 : i32
      %lt3A_32 = arith.cmpi slt, %add3A_31, %lt3A : i32
      %convert_element_type3A = arith.extui %lt3A_32 : i1 to i32
      %cond3A = arith.constant 0 : i32
      %cond3A_33 = arith.cmpi ne, %convert_element_type3A, %cond3A : i32
      scf.if %cond3A_33 {
        %add3A_37 = arith.constant 2 : i32
        %add3A_38 = arith.addi %mul3A_19, %add3A_37 : i32
        %mul3A_39 = arith.constant 128 : i32
        %mul3A_40 = arith.muli %add3A_38, %mul3A_39 : i32
        %add3A_41 = arith.addi %mul3A_4, %mul3A_40 : i32
        "tpu.region"() ({
          %run_scoped3A = tpu.sem_alloc : memref<!tpu.dma_semaphore, #tpu.memory_space<semaphore_mem>>
          %dma_start3A_45 = tpu.memref_slice %arg2[%add3A_41] : memref<327680xi32, #tpu.memory_space<hbm>> -> memref<128xi32, #tpu.memory_space<hbm>>
          %dma_start3A_46 = tpu.memref_slice %arg2[%add3A_41] : memref<327680xi32, #tpu.memory_space<hbm>> -> memref<128xi32, #tpu.memory_space<hbm>>
          tpu.enqueue_dma source(%dma_start3A_46 : memref<128xi32, #tpu.memory_space<hbm>>) target(%arg6 : memref<128xi32, #tpu.memory_space<vmem>>) target_semaphore(%run_scoped3A : memref<!tpu.dma_semaphore, #tpu.memory_space<semaphore_mem>>)
          %dma_wait3A_47 = tpu.memref_slice %arg2[%add3A_41] : memref<327680xi32, #tpu.memory_space<hbm>> -> memref<128xi32, #tpu.memory_space<hbm>>
          %dma_wait3A_48 = tpu.memref_slice %arg2[%add3A_41] : memref<327680xi32, #tpu.memory_space<hbm>> -> memref<128xi32, #tpu.memory_space<hbm>>
          tpu.wait_dma2 semaphore(%run_scoped3A : memref<!tpu.dma_semaphore, #tpu.memory_space<semaphore_mem>>) src(%dma_wait3A_48 : memref<128xi32, #tpu.memory_space<hbm>>) dst(%arg6 : memref<128xi32, #tpu.memory_space<vmem>>)
          tpu.yield
        }) : () -> ()
        %dma_start3A_42 = arith.constant 0 : i32
        %dma_start3A_43 = arith.constant 0 : i32
        %dma_start3A_44 = tpu.memref_slice %arg9[%dma_start3A_42, %dma_start3A_43] : memref<10240x128xf32, #tpu.memory_space<vmem_shared>> -> memref<10240x128xf32, #tpu.memory_space<vmem_shared>>
        tpu.enqueue_indirect_dma source(%arg8 : memref<128x128xf32, #tpu.memory_space<vmem>>) target(%dma_start3A_44 : memref<10240x128xf32, #tpu.memory_space<vmem_shared>>) offsets(%arg6 : memref<128xi32, #tpu.memory_space<vmem>>) semaphore(%arg10 : memref<!tpu.dma_semaphore, #tpu.memory_space<semaphore_mem>>) {add = true}
      } else {
      }
      %dma_wait3A_34 = arith.constant 0 : i32
      %dma_wait3A_35 = arith.constant 0 : i32
      %dma_wait3A_36 = tpu.memref_slice %arg9[%dma_wait3A_34, %dma_wait3A_35] : memref<10240x128xf32, #tpu.memory_space<vmem_shared>> -> memref<10240x128xf32, #tpu.memory_space<vmem_shared>>
      tpu.wait_indirect_dma semaphore(%arg11 : memref<!tpu.dma_semaphore, #tpu.memory_space<semaphore_mem>>) src(%arg8 : memref<128x128xf32, #tpu.memory_space<vmem>>) dst(%dma_wait3A_36 : memref<10240x128xf32, #tpu.memory_space<vmem_shared>>)
    }
    %scan3A_11 = arith.constant 40 : i32
    %barrier3A_12 = arith.constant 0 : index
    tpu.barrier barrier_id(%barrier3A_12)
    %mul3A_13 = arith.constant 640 : i32
    %mul3A_14 = arith.muli %arg1, %mul3A_13 : i32
    %mul3A_15 = arith.constant 640 : i32
    %mul3A_16 = arith.muli %arg1, %mul3A_15 : i32
    "tpu.region"() ({
      %run_scoped3A = tpu.sem_alloc : memref<!tpu.dma_semaphore, #tpu.memory_space<semaphore_mem>>
      %dma_start3A_17 = arith.constant 0 : i32
      %dma_start3A_18 = tpu.memref_slice %arg5[%arg0, %mul3A_16, %dma_start3A_17] : memref<2x10240x128xf32, #tpu.memory_space<hbm>> -> memref<1x640x128xf32, #tpu.memory_space<hbm>>
      %dma_start3A_19 = tpu.memref_squeeze %dma_start3A_18 : memref<1x640x128xf32, #tpu.memory_space<hbm>> -> memref<640x128xf32, #tpu.memory_space<hbm>>
      %dma_start3A_20 = arith.constant 0 : i32
      %dma_start3A_21 = tpu.memref_slice %arg9[%mul3A_14, %dma_start3A_20] : memref<10240x128xf32, #tpu.memory_space<vmem_shared>> -> memref<640x128xf32, #tpu.memory_space<vmem_shared>>
      tpu.enqueue_dma source(%dma_start3A_21 : memref<640x128xf32, #tpu.memory_space<vmem_shared>>) target(%dma_start3A_19 : memref<640x128xf32, #tpu.memory_space<hbm>>) target_semaphore(%run_scoped3A : memref<!tpu.dma_semaphore, #tpu.memory_space<semaphore_mem>>)
      %dma_wait3A = arith.constant 0 : i32
      %dma_wait3A_22 = tpu.memref_slice %arg5[%arg0, %mul3A_16, %dma_wait3A] : memref<2x10240x128xf32, #tpu.memory_space<hbm>> -> memref<1x640x128xf32, #tpu.memory_space<hbm>>
      %dma_wait3A_23 = tpu.memref_squeeze %dma_wait3A_22 : memref<1x640x128xf32, #tpu.memory_space<hbm>> -> memref<640x128xf32, #tpu.memory_space<hbm>>
      %dma_wait3A_24 = arith.constant 0 : i32
      %dma_wait3A_25 = tpu.memref_slice %arg9[%mul3A_14, %dma_wait3A_24] : memref<10240x128xf32, #tpu.memory_space<vmem_shared>> -> memref<640x128xf32, #tpu.memory_space<vmem_shared>>
      tpu.wait_dma2 semaphore(%run_scoped3A : memref<!tpu.dma_semaphore, #tpu.memory_space<semaphore_mem>>) src(%dma_wait3A_25 : memref<640x128xf32, #tpu.memory_space<vmem_shared>>) dst(%dma_wait3A_23 : memref<640x128xf32, #tpu.memory_space<hbm>>)
      tpu.yield
    }) : () -> ()
    return
  }
}

module attributes {stable_mosaic.version = 14 : i64} {
  func.func @_dense_body(%arg0: memref<10240x128xf32, #tpu.memory_space<vmem>>, %arg1: memref<128x128xf32, #tpu.memory_space<vmem>>, %arg2: memref<128x1xf32, #tpu.memory_space<vmem>>, %arg3: memref<128x128xf32, #tpu.memory_space<vmem>>, %arg4: memref<128x128xf32, #tpu.memory_space<vmem>>, %arg5: memref<128x128xf32, #tpu.memory_space<vmem>>, %arg6: memref<128x128xf32, #tpu.memory_space<vmem>>, %arg7: memref<128x128xf32, #tpu.memory_space<vmem>>, %arg8: memref<128x128xf32, #tpu.memory_space<vmem>>, %arg9: memref<128x128xf32, #tpu.memory_space<vmem>>, %arg10: memref<128x128xf32, #tpu.memory_space<vmem>>, %arg11: memref<128x128xf32, #tpu.memory_space<vmem>>, %arg12: memref<128x128xf32, #tpu.memory_space<vmem>>, %arg13: memref<10240x128xf32, #tpu.memory_space<vmem>>, %arg14: memref<10240x128xf32, #tpu.memory_space<vmem>>, %arg15: memref<128x128xf32, #tpu.memory_space<vmem>>) attributes {dimension_semantics = [], scalar_prefetch = 0 : i64, scratch_operands = 2 : i64, tpu.core_type = #tpu.core_type<tc>} {
    %get3A = arith.constant 0 : index
    %get3A_0 = arith.constant 0 : index
    %get3A_1 = vector.load %arg0[%get3A, %get3A_0] : memref<10240x128xf32, #tpu.memory_space<vmem>>, vector<10240x128xf32>
    %get3A_2 = arith.constant 0 : index
    %get3A_3 = arith.constant 0 : index
    %get3A_4 = vector.load %arg1[%get3A_2, %get3A_3] : memref<128x128xf32, #tpu.memory_space<vmem>>, vector<128x128xf32>
    %dot_general3A = arith.constant dense<0.000000e+00> : vector<10240x128xf32>
    %dot_general3A_5 = tpu.matmul %get3A_1, %get3A_4, %dot_general3A {dimension_numbers = #tpu.dot_dimension_numbers<[1], [1], [0], [0], [0, 0, 1, 0], [], []>, transpose_lhs_hint = false} : vector<10240x128xf32>, vector<128x128xf32>, vector<10240x128xf32> -> vector<10240x128xf32>
    %swap3A = arith.constant 0 : index
    %swap3A_6 = arith.constant 0 : index
    %swap3A_7 = vector.load %arg14[%swap3A, %swap3A_6] : memref<10240x128xf32, #tpu.memory_space<vmem>>, vector<10240x128xf32>
    tpu.vector_store %arg14[%swap3A, %swap3A_6], %dot_general3A_5 {strides = array<i32>} : memref<10240x128xf32, #tpu.memory_space<vmem>>, vector<10240x128xf32>,
    %get3A_8 = arith.constant 0 : index
    %get3A_9 = arith.constant 0 : index
    %get3A_10 = vector.load %arg2[%get3A_8, %get3A_9] : memref<128x1xf32, #tpu.memory_space<vmem>>, vector<128x1xf32>
    %reshape3A = vector.shape_cast %dot_general3A_5 : vector<10240x128xf32> to vector<80x128x128xf32>
    %dot_general3A_11 = arith.constant dense<0.000000e+00> : vector<80x128x1xf32>
    %dot_general3A_12 = tpu.matmul %reshape3A, %get3A_10, %dot_general3A_11 {dimension_numbers = #tpu.dot_dimension_numbers<[2], [0], [0, 1], [1], [0, 0, 0, 1, 1, 1], [], []>, transpose_lhs_hint = false} : vector<80x128x128xf32>, vector<128x1xf32>, vector<80x128x1xf32> -> vector<80x128x1xf32>
    %squeeze3A = vector.shape_cast %dot_general3A_12 : vector<80x128x1xf32> to vector<80x128xf32>
    %iota3A = tpu.iota {dimensions = array<i32: 0>} : vector<80x128xi32>
    %iota3A_13 = tpu.iota {dimensions = array<i32: 1>} : vector<80x128xi32>
    %mul3A = arith.constant 128 : i32
    %mul3A_14 = vector.broadcast %mul3A : i32 to vector<80x128xi32>
    %mul3A_15 = arith.muli %iota3A, %mul3A_14 : vector<80x128xi32>
    %add3A = arith.addi %mul3A_15, %iota3A_13 : vector<80x128xi32>
    %ge3A = arith.constant 10000 : i32
    %ge3A_16 = vector.broadcast %ge3A : i32 to vector<80x128xi32>
    %ge3A_17 = arith.cmpi sge, %add3A, %ge3A_16 : vector<80x128xi32>
    %jit3A = arith.constant -1.000000e+30 : f32
    %broadcast_in_dim3A = vector.broadcast %jit3A : f32 to vector<80x128xf32>
    %select_n3A = arith.select %ge3A_17, %broadcast_in_dim3A, %squeeze3A : vector<80x128xi1>, vector<80x128xf32>
    %iota3A_18 = tpu.iota {dimensions = array<i32: 1>} : vector<1x128xi32>
    %broadcast_in_dim3A_19 = arith.constant 0.000000e+00 : f32
    %broadcast_in_dim3A_20 = vector.broadcast %broadcast_in_dim3A_19 : f32 to vector<1x128xf32>
    %scan3A = arith.constant 0 : i32
    %scan3A_21 = arith.constant 128 : i32
    %scan3A_22 = arith.addi %scan3A, %scan3A_21 : i32
    %scan3A_23 = arith.constant 1 : i32
    %scan3A_24:2 = scf.for %scan3A_119 = %scan3A to %scan3A_22 step %scan3A_23 iter_args(%scan3A_120 = %select_n3A, %scan3A_121 = %broadcast_in_dim3A_20) -> (vector<80x128xf32>, vector<1x128xf32>)  : i32 {
      %reduce_max3A = vector.shape_cast %scan3A_120 : vector<80x128xf32> to vector<1x80x128xf32>
      %reduce_max3A_122 = arith.constant dense<0xFF800000> : vector<1xf32>
      %reduce_max3A_123 = vector.multi_reduction <maximumf>, %reduce_max3A, %reduce_max3A_122 [1, 2] : vector<1x80x128xf32> to vector<1xf32>
      %reduce_max3A_124 = vector.shape_cast %reduce_max3A_123 : vector<1xf32> to vector<1x1x1xf32>
      %reduce_max3A_125 = vector.extract %reduce_max3A_124[0, 0, 0] : f32 from vector<1x1x1xf32>
      %eq3A = vector.broadcast %reduce_max3A_125 : f32 to vector<80x128xf32>
      %eq3A_126 = arith.cmpf oeq, %scan3A_120, %eq3A : vector<80x128xf32>
      %jit3A_127 = arith.constant 1073741824 : i32
      %broadcast_in_dim3A_128 = vector.broadcast %jit3A_127 : i32 to vector<80x128xi32>
      %select_n3A_129 = arith.select %eq3A_126, %add3A, %broadcast_in_dim3A_128 : vector<80x128xi1>, vector<80x128xi32>
      %reduce_min3A = vector.shape_cast %select_n3A_129 : vector<80x128xi32> to vector<1x80x128xi32>
      %reduce_min3A_130 = arith.constant dense<2147483647> : vector<1xi32>
      %reduce_min3A_131 = vector.multi_reduction <minsi>, %reduce_min3A, %reduce_min3A_130 [1, 2] : vector<1x80x128xi32> to vector<1xi32>
      %reduce_min3A_132 = vector.shape_cast %reduce_min3A_131 : vector<1xi32> to vector<1x1x1xi32>
      %reduce_min3A_133 = vector.extract %reduce_min3A_132[0, 0, 0] : i32 from vector<1x1x1xi32>
      %eq3A_134 = vector.broadcast %reduce_min3A_133 : i32 to vector<80x128xi32>
      %eq3A_135 = arith.cmpi eq, %add3A, %eq3A_134 : vector<80x128xi32>
      %jit3A_136 = arith.constant -2.000000e+30 : f32
      %broadcast_in_dim3A_137 = vector.broadcast %jit3A_136 : f32 to vector<80x128xf32>
      %select_n3A_138 = arith.select %eq3A_135, %broadcast_in_dim3A_137, %scan3A_120 : vector<80x128xi1>, vector<80x128xf32>
      %eq3A_139 = vector.broadcast %scan3A_119 : i32 to vector<1x128xi32>
      %eq3A_140 = arith.cmpi eq, %iota3A_18, %eq3A_139 : vector<1x128xi32>
      %broadcast_in_dim3A_141 = vector.broadcast %reduce_max3A_125 : f32 to vector<1x128xf32>
      %select_n3A_142 = arith.select %eq3A_140, %broadcast_in_dim3A_141, %scan3A_121 : vector<1x128xi1>, vector<1x128xf32>
      %get3A_143 = arith.index_cast %reduce_min3A_133 : i32 to index
      %get3A_144 = arith.constant 0 : index
      %get3A_145 = vector.load %arg14[%get3A_143, %get3A_144] : memref<10240x128xf32, #tpu.memory_space<vmem>>, vector<1x128xf32>
      %swap3A_146 = arith.index_cast %scan3A_119 : i32 to index
      %swap3A_147 = arith.constant 0 : index
      %swap3A_148 = vector.load %arg15[%swap3A_146, %swap3A_147] : memref<128x128xf32, #tpu.memory_space<vmem>>, vector<1x128xf32>
      tpu.vector_store %arg15[%swap3A_146, %swap3A_147], %get3A_145 {strides = array<i32>} : memref<128x128xf32, #tpu.memory_space<vmem>>, vector<1x128xf32>,
      scf.yield %select_n3A_138, %select_n3A_142 : vector<80x128xf32>, vector<1x128xf32>
    }
    %scan3A_25 = arith.constant 128 : i32
    %mul3A_26 = arith.mulf %get3A_10, %get3A_10 : vector<128x1xf32>
    %reduce_sum3A = vector.shape_cast %mul3A_26 : vector<128x1xf32> to vector<1x128x1xf32>
    %reduce_sum3A_27 = arith.constant dense<0.000000e+00> : vector<1xf32>
    %reduce_sum3A_28 = vector.multi_reduction <add>, %reduce_sum3A, %reduce_sum3A_27 [1, 2] : vector<1x128x1xf32> to vector<1xf32>
    %reduce_sum3A_29 = vector.shape_cast %reduce_sum3A_28 : vector<1xf32> to vector<1x1x1xf32>
    %reduce_sum3A_30 = vector.extract %reduce_sum3A_29[0, 0, 0] : f32 from vector<1x1x1xf32>
    %sqrt3A = math.sqrt %reduce_sum3A_30 : f32
    %div3A = vector.broadcast %sqrt3A : f32 to vector<1x128xf32>
    %div3A_31 = arith.divf %scan3A_24#1, %div3A : vector<1x128xf32>
    %tanh3A = math.tanh %div3A_31 : vector<1x128xf32>
    %get3A_32 = arith.constant 0 : index
    %get3A_33 = arith.constant 0 : index
    %get3A_34 = vector.load %arg15[%get3A_32, %get3A_33] : memref<128x128xf32, #tpu.memory_space<vmem>>, vector<128x128xf32>
    %get3A_35 = arith.constant 0 : index
    %get3A_36 = arith.constant 0 : index
    %get3A_37 = vector.load %arg3[%get3A_35, %get3A_36] : memref<128x128xf32, #tpu.memory_space<vmem>>, vector<128x128xf32>
    %get3A_38 = arith.constant 0 : index
    %get3A_39 = arith.constant 0 : index
    %get3A_40 = vector.load %arg4[%get3A_38, %get3A_39] : memref<128x128xf32, #tpu.memory_space<vmem>>, vector<128x128xf32>
    %dot_general3A_41 = arith.constant dense<0.000000e+00> : vector<128x128xf32>
    %dot_general3A_42 = tpu.matmul %get3A_40, %get3A_34, %dot_general3A_41 {dimension_numbers = #tpu.dot_dimension_numbers<[1], [1], [0], [0], [0, 0, 1, 0], [], []>, transpose_lhs_hint = false} : vector<128x128xf32>, vector<128x128xf32>, vector<128x128xf32> -> vector<128x128xf32>
    %mul3A_43 = vector.broadcast %tanh3A : vector<1x128xf32> to vector<128x128xf32>
    %mul3A_44 = arith.mulf %dot_general3A_42, %mul3A_43 : vector<128x128xf32>
    %get3A_45 = arith.constant 0 : index
    %get3A_46 = arith.constant 0 : index
    %get3A_47 = vector.load %arg5[%get3A_45, %get3A_46] : memref<128x128xf32, #tpu.memory_space<vmem>>, vector<128x128xf32>
    %dot_general3A_48 = arith.constant dense<0.000000e+00> : vector<128x128xf32>
    %dot_general3A_49 = tpu.matmul %get3A_47, %get3A_37, %dot_general3A_48 {dimension_numbers = #tpu.dot_dimension_numbers<[1], [0], [0], [1], [0, 0, 1, 1], [], []>, transpose_lhs_hint = false} : vector<128x128xf32>, vector<128x128xf32>, vector<128x128xf32> -> vector<128x128xf32>
    %add3A_50 = arith.addf %mul3A_44, %dot_general3A_49 : vector<128x128xf32>
    %get3A_51 = arith.constant 0 : index
    %get3A_52 = arith.constant 0 : index
    %get3A_53 = vector.load %arg6[%get3A_51, %get3A_52] : memref<128x128xf32, #tpu.memory_space<vmem>>, vector<128x128xf32>
    %add3A_54 = arith.addf %add3A_50, %get3A_53 : vector<128x128xf32>
    %neg3A = arith.constant 0.000000e+00 : f32
    %neg3A_55 = vector.broadcast %neg3A : f32 to vector<128x128xf32>
    %neg3A_56 = arith.subf %neg3A_55, %add3A_54 : vector<128x128xf32>
    %exp3A = math.exp %neg3A_56 : vector<128x128xf32>
    %add3A_57 = arith.constant 1.000000e+00 : f32
    %add3A_58 = vector.broadcast %add3A_57 : f32 to vector<128x128xf32>
    %add3A_59 = arith.addf %add3A_58, %exp3A : vector<128x128xf32>
    %div3A_60 = arith.constant 1.000000e+00 : f32
    %div3A_61 = vector.broadcast %div3A_60 : f32 to vector<128x128xf32>
    %div3A_62 = arith.divf %div3A_61, %add3A_59 : vector<128x128xf32>
    %get3A_63 = arith.constant 0 : index
    %get3A_64 = arith.constant 0 : index
    %get3A_65 = vector.load %arg7[%get3A_63, %get3A_64] : memref<128x128xf32, #tpu.memory_space<vmem>>, vector<128x128xf32>
    %dot_general3A_66 = arith.constant dense<0.000000e+00> : vector<128x128xf32>
    %dot_general3A_67 = tpu.matmul %get3A_65, %get3A_34, %dot_general3A_66 {dimension_numbers = #tpu.dot_dimension_numbers<[1], [1], [0], [0], [0, 0, 1, 0], [], []>, transpose_lhs_hint = false} : vector<128x128xf32>, vector<128x128xf32>, vector<128x128xf32> -> vector<128x128xf32>
    %mul3A_68 = vector.broadcast %tanh3A : vector<1x128xf32> to vector<128x128xf32>
    %mul3A_69 = arith.mulf %dot_general3A_67, %mul3A_68 : vector<128x128xf32>
    %get3A_70 = arith.constant 0 : index
    %get3A_71 = arith.constant 0 : index
    %get3A_72 = vector.load %arg8[%get3A_70, %get3A_71] : memref<128x128xf32, #tpu.memory_space<vmem>>, vector<128x128xf32>
    %dot_general3A_73 = arith.constant dense<0.000000e+00> : vector<128x128xf32>
    %dot_general3A_74 = tpu.matmul %get3A_72, %get3A_37, %dot_general3A_73 {dimension_numbers = #tpu.dot_dimension_numbers<[1], [0], [0], [1], [0, 0, 1, 1], [], []>, transpose_lhs_hint = false} : vector<128x128xf32>, vector<128x128xf32>, vector<128x128xf32> -> vector<128x128xf32>
    %add3A_75 = arith.addf %mul3A_69, %dot_general3A_74 : vector<128x128xf32>
    %get3A_76 = arith.constant 0 : index
    %get3A_77 = arith.constant 0 : index
    %get3A_78 = vector.load %arg9[%get3A_76, %get3A_77] : memref<128x128xf32, #tpu.memory_space<vmem>>, vector<128x128xf32>
    %add3A_79 = arith.addf %add3A_75, %get3A_78 : vector<128x128xf32>
    %neg3A_80 = arith.constant 0.000000e+00 : f32
    %neg3A_81 = vector.broadcast %neg3A_80 : f32 to vector<128x128xf32>
    %neg3A_82 = arith.subf %neg3A_81, %add3A_79 : vector<128x128xf32>
    %exp3A_83 = math.exp %neg3A_82 : vector<128x128xf32>
    %add3A_84 = arith.constant 1.000000e+00 : f32
    %add3A_85 = vector.broadcast %add3A_84 : f32 to vector<128x128xf32>
    %add3A_86 = arith.addf %add3A_85, %exp3A_83 : vector<128x128xf32>
    %div3A_87 = arith.constant 1.000000e+00 : f32
    %div3A_88 = vector.broadcast %div3A_87 : f32 to vector<128x128xf32>
    %div3A_89 = arith.divf %div3A_88, %add3A_86 : vector<128x128xf32>
    %mul3A_90 = arith.mulf %div3A_89, %get3A_37 : vector<128x128xf32>
    %get3A_91 = arith.constant 0 : index
    %get3A_92 = arith.constant 0 : index
    %get3A_93 = vector.load %arg10[%get3A_91, %get3A_92] : memref<128x128xf32, #tpu.memory_space<vmem>>, vector<128x128xf32>
    %dot_general3A_94 = arith.constant dense<0.000000e+00> : vector<128x128xf32>
    %dot_general3A_95 = tpu.matmul %get3A_93, %get3A_34, %dot_general3A_94 {dimension_numbers = #tpu.dot_dimension_numbers<[1], [1], [0], [0], [0, 0, 1, 0], [], []>, transpose_lhs_hint = false} : vector<128x128xf32>, vector<128x128xf32>, vector<128x128xf32> -> vector<128x128xf32>
    %mul3A_96 = vector.broadcast %tanh3A : vector<1x128xf32> to vector<128x128xf32>
    %mul3A_97 = arith.mulf %dot_general3A_95, %mul3A_96 : vector<128x128xf32>
    %get3A_98 = arith.constant 0 : index
    %get3A_99 = arith.constant 0 : index
    %get3A_100 = vector.load %arg11[%get3A_98, %get3A_99] : memref<128x128xf32, #tpu.memory_space<vmem>>, vector<128x128xf32>
    %dot_general3A_101 = arith.constant dense<0.000000e+00> : vector<128x128xf32>
    %dot_general3A_102 = tpu.matmul %get3A_100, %mul3A_90, %dot_general3A_101 {dimension_numbers = #tpu.dot_dimension_numbers<[1], [0], [0], [1], [0, 0, 1, 1], [], []>, transpose_lhs_hint = false} : vector<128x128xf32>, vector<128x128xf32>, vector<128x128xf32> -> vector<128x128xf32>
    %add3A_103 = arith.addf %mul3A_97, %dot_general3A_102 : vector<128x128xf32>
    %get3A_104 = arith.constant 0 : index
    %get3A_105 = arith.constant 0 : index
    %get3A_106 = vector.load %arg12[%get3A_104, %get3A_105] : memref<128x128xf32, #tpu.memory_space<vmem>>, vector<128x128xf32>
    %add3A_107 = arith.addf %add3A_103, %get3A_106 : vector<128x128xf32>
    %tanh3A_108 = math.tanh %add3A_107 : vector<128x128xf32>
    %sub3A = arith.constant 1.000000e+00 : f32
    %sub3A_109 = vector.broadcast %sub3A : f32 to vector<128x128xf32>
    %sub3A_110 = arith.subf %sub3A_109, %div3A_62 : vector<128x128xf32>
    %mul3A_111 = arith.mulf %sub3A_110, %get3A_37 : vector<128x128xf32>
    %mul3A_112 = arith.mulf %div3A_62, %tanh3A_108 : vector<128x128xf32>
    %add3A_113 = arith.addf %mul3A_111, %mul3A_112 : vector<128x128xf32>
    %dot_general3A_114 = arith.constant dense<0.000000e+00> : vector<10240x128xf32>
    %dot_general3A_115 = tpu.matmul %dot_general3A_5, %add3A_113, %dot_general3A_114 {dimension_numbers = #tpu.dot_dimension_numbers<[1], [0], [0], [1], [0, 0, 1, 1], [], []>, transpose_lhs_hint = false} : vector<10240x128xf32>, vector<128x128xf32>, vector<10240x128xf32> -> vector<10240x128xf32>
    %swap3A_116 = arith.constant 0 : index
    %swap3A_117 = arith.constant 0 : index
    %swap3A_118 = vector.load %arg13[%swap3A_116, %swap3A_117] : memref<10240x128xf32, #tpu.memory_space<vmem>>, vector<10240x128xf32>
    tpu.vector_store %arg13[%swap3A_116, %swap3A_117], %dot_general3A_115 {strides = array<i32>} : memref<10240x128xf32, #tpu.memory_space<vmem>>, vector<10240x128xf32>,
    return
  }
}

module attributes {stable_mosaic.version = 14 : i64} {
  func.func @_scale_body(%arg0: memref<10240x128xf32, #tpu.memory_space<vmem>>, %arg1: memref<2x80x128xf32, #tpu.memory_space<vmem>>, %arg2: memref<10240x128xf32, #tpu.memory_space<vmem>>) attributes {dimension_semantics = [], scalar_prefetch = 0 : i64, scratch_operands = 0 : i64, tpu.core_type = #tpu.core_type<tc>} {
    %get3A = arith.constant 0 : index
    %get3A_0 = arith.constant 0 : index
    %get3A_1 = arith.constant 0 : index
    %get3A_2 = vector.load %arg1[%get3A, %get3A_0, %get3A_1] : memref<2x80x128xf32, #tpu.memory_space<vmem>>, vector<2x80x128xf32>
    %slice3A = vector.extract_strided_slice %get3A_2 {offsets = [0, 0, 0], sizes = [1, 80, 128], strides = [1, 1, 1]} : vector<2x80x128xf32> to vector<1x80x128xf32>
    %squeeze3A = vector.shape_cast %slice3A : vector<1x80x128xf32> to vector<80x128xf32>
    %slice3A_3 = vector.extract_strided_slice %get3A_2 {offsets = [1, 0, 0], sizes = [1, 80, 128], strides = [1, 1, 1]} : vector<2x80x128xf32> to vector<1x80x128xf32>
    %squeeze3A_4 = vector.shape_cast %slice3A_3 : vector<1x80x128xf32> to vector<80x128xf32>
    %add3A = arith.addf %squeeze3A, %squeeze3A_4 : vector<80x128xf32>
    %add3A_5 = arith.constant 1.000000e+00 : f32
    %add3A_6 = vector.broadcast %add3A_5 : f32 to vector<80x128xf32>
    %add3A_7 = arith.addf %add3A, %add3A_6 : vector<80x128xf32>
    %rsqrt3A = math.rsqrt %add3A_7 : vector<80x128xf32>
    %broadcast_in_dim3A = vector.shape_cast %rsqrt3A : vector<80x128xf32> to vector<80x128x1xf32>
    %get3A_8 = arith.constant 0 : index
    %get3A_9 = arith.constant 0 : index
    %get3A_10 = vector.load %arg0[%get3A_8, %get3A_9] : memref<10240x128xf32, #tpu.memory_space<vmem>>, vector<10240x128xf32>
    %reshape3A = vector.shape_cast %get3A_10 : vector<10240x128xf32> to vector<80x128x128xf32>
    %mul3A = vector.broadcast %broadcast_in_dim3A : vector<80x128x1xf32> to vector<80x128x128xf32>
    %mul3A_11 = arith.mulf %reshape3A, %mul3A : vector<80x128x128xf32>
    %reshape3A_12 = vector.shape_cast %mul3A_11 : vector<80x128x128xf32> to vector<10240x128xf32>
    %swap3A = arith.constant 0 : index
    %swap3A_13 = arith.constant 0 : index
    %swap3A_14 = vector.load %arg2[%swap3A, %swap3A_13] : memref<10240x128xf32, #tpu.memory_space<vmem>>, vector<10240x128xf32>
    tpu.vector_store %arg2[%swap3A, %swap3A_13], %reshape3A_12 {strides = array<i32>} : memref<10240x128xf32, #tpu.memory_space<vmem>>, vector<10240x128xf32>,
    return
  }
}

module attributes {stable_mosaic.version = 14 : i64} {
  func.func @_final_body(%arg0: memref<2x10240x128xf32, #tpu.memory_space<vmem>>, %arg1: memref<10240x128xf32, #tpu.memory_space<vmem>>, %arg2: memref<2x80x128xf32, #tpu.memory_space<vmem>>, %arg3: memref<10240x128xf32, #tpu.memory_space<vmem>>) attributes {dimension_semantics = [], scalar_prefetch = 0 : i64, scratch_operands = 0 : i64, tpu.core_type = #tpu.core_type<tc>} {
    %get3A = arith.constant 0 : index
    %get3A_0 = arith.constant 0 : index
    %get3A_1 = arith.constant 0 : index
    %get3A_2 = vector.load %arg2[%get3A, %get3A_0, %get3A_1] : memref<2x80x128xf32, #tpu.memory_space<vmem>>, vector<2x80x128xf32>
    %slice3A = vector.extract_strided_slice %get3A_2 {offsets = [0, 0, 0], sizes = [1, 80, 128], strides = [1, 1, 1]} : vector<2x80x128xf32> to vector<1x80x128xf32>
    %squeeze3A = vector.shape_cast %slice3A : vector<1x80x128xf32> to vector<80x128xf32>
    %slice3A_3 = vector.extract_strided_slice %get3A_2 {offsets = [1, 0, 0], sizes = [1, 80, 128], strides = [1, 1, 1]} : vector<2x80x128xf32> to vector<1x80x128xf32>
    %squeeze3A_4 = vector.shape_cast %slice3A_3 : vector<1x80x128xf32> to vector<80x128xf32>
    %add3A = arith.addf %squeeze3A, %squeeze3A_4 : vector<80x128xf32>
    %add3A_5 = arith.constant 1.000000e+00 : f32
    %add3A_6 = vector.broadcast %add3A_5 : f32 to vector<80x128xf32>
    %add3A_7 = arith.addf %add3A, %add3A_6 : vector<80x128xf32>
    %rsqrt3A = math.rsqrt %add3A_7 : vector<80x128xf32>
    %broadcast_in_dim3A = vector.shape_cast %rsqrt3A : vector<80x128xf32> to vector<80x128x1xf32>
    %get3A_8 = arith.constant 0 : index
    %get3A_9 = arith.constant 0 : index
    %get3A_10 = arith.constant 0 : index
    %get3A_11 = vector.load %arg0[%get3A_8, %get3A_9, %get3A_10] : memref<2x10240x128xf32, #tpu.memory_space<vmem>>, vector<2x10240x128xf32>
    %slice3A_12 = vector.extract_strided_slice %get3A_11 {offsets = [0, 0, 0], sizes = [1, 10240, 128], strides = [1, 1, 1]} : vector<2x10240x128xf32> to vector<1x10240x128xf32>
    %squeeze3A_13 = vector.shape_cast %slice3A_12 : vector<1x10240x128xf32> to vector<10240x128xf32>
    %slice3A_14 = vector.extract_strided_slice %get3A_11 {offsets = [1, 0, 0], sizes = [1, 10240, 128], strides = [1, 1, 1]} : vector<2x10240x128xf32> to vector<1x10240x128xf32>
    %squeeze3A_15 = vector.shape_cast %slice3A_14 : vector<1x10240x128xf32> to vector<10240x128xf32>
    %add3A_16 = arith.addf %squeeze3A_13, %squeeze3A_15 : vector<10240x128xf32>
    %get3A_17 = arith.constant 0 : index
    %get3A_18 = arith.constant 0 : index
    %get3A_19 = vector.load %arg1[%get3A_17, %get3A_18] : memref<10240x128xf32, #tpu.memory_space<vmem>>, vector<10240x128xf32>
    %add3A_20 = arith.addf %add3A_16, %get3A_19 : vector<10240x128xf32>
    %reshape3A = vector.shape_cast %add3A_20 : vector<10240x128xf32> to vector<80x128x128xf32>
    %mul3A = vector.broadcast %broadcast_in_dim3A : vector<80x128x1xf32> to vector<80x128x128xf32>
    %mul3A_21 = arith.mulf %reshape3A, %mul3A : vector<80x128x128xf32>
    %reshape3A_22 = vector.shape_cast %mul3A_21 : vector<80x128x128xf32> to vector<10240x128xf32>
    %ge3A = arith.constant 0.000000e+00 : f32
    %ge3A_23 = vector.broadcast %ge3A : f32 to vector<10240x128xf32>
    %ge3A_24 = arith.cmpf oge, %reshape3A_22, %ge3A_23 : vector<10240x128xf32>
    %mul3A_25 = arith.constant 0.229166672 : f32
    %mul3A_26 = vector.broadcast %mul3A_25 : f32 to vector<10240x128xf32>
    %mul3A_27 = arith.mulf %mul3A_26, %reshape3A_22 : vector<10240x128xf32>
    %select_n3A = arith.select %ge3A_24, %reshape3A_22, %mul3A_27 : vector<10240x128xi1>, vector<10240x128xf32>
    %swap3A = arith.constant 0 : index
    %swap3A_28 = arith.constant 0 : index
    %swap3A_29 = vector.load %arg3[%swap3A, %swap3A_28] : memref<10240x128xf32, #tpu.memory_space<vmem>>, vector<10240x128xf32>
    tpu.vector_store %arg3[%swap3A, %swap3A_28], %select_n3A {strides = array<i32>} : memref<10240x128xf32, #tpu.memory_space<vmem>>, vector<10240x128xf32>,
    return
  }
}

</mosaic_0001>

<sc_bundles>
// kernel: kernel.10.cloned.1.call-start
scs
__scs_entry_jumppad:
0x0: {  	(pc) =	sbr.rel $0x88, $3  }
0x1: {  	(tag) =	ssettag $0x0;
	lr =	simm.s32 $0x1  }
0x2: {  	[smem:$0x3F93] =	sst lr;
	_ =	strace $0xD0000000  }
0x3: {  	_ = 	snop  }
0x4: {  	_ = 	snop  }
0x5: {  	_ = 	snop  }
0x6: {  	_ = 	snop  }
0x7: {  	_ = 	snop  }
__scs_overlays_trampoline_lowered:
0x8: {  	[smem:$0x3FA2] =	sst s0  }
0x9: {  	[smem:$0x3FA3] =	sst s1  }
0xa: {  	[smem:$0x3FA4] =	sst s2  }
0xb: {  	[smem:$0x3FA5] =	sst s3  }
0xc: {  	[smem:$0x3FA6] =	sst s4  }
0xd: {  	[smem:$0x3FA7] =	sst s5  }
0xe: {  	[smem:$0x3FA8] =	sst s6  }
0xf: {  	[smem:$0x3FA9] =	sst s7  }
0x10: {  	[smem:$0x3FAA] =	sst s8  }
0x11: {  	[smem:$0x3FAB] =	sst s9;
	s0 =	simm.s32 @!p0 $0x0  }
0x12: {  	s1 =	sld [smem:$0x3F91];
	s0 =	simm.s32 @p0 $0x1  }
0x13: {  	[smem:$0x3FAC] =	sst s0;
	s0 =	simm.s32 @!p1 $0x0  }
0x14: {  	s2 =	sld [smem:$0x3F90];
	s0 =	simm.s32 @p1 $0x1  }
0x15: {  	[smem:$0x3FAD] =	sst s0;
	s0 =	simm.s32 @!p2 $0x0  }
0x16: {  	s3 =	sld [smem:$0x3FDB];
	s0 =	simm.s32 @p2 $0x1  }
0x17: {  	s4 =	simm.s32 $0x1BF5;
	[smem:$0x3FAF] =	sst s0  }
0x18: {  	s0 =	sld [smem:$0x3F92];
	_ =	swait.ge [sflag:s4], $0x0  }
0x19: {  	s7 =	sld [smem:$0x3F93]  }
0x1a: {  	s8 =	sadd.s32 $0xFFFFE003, lr  }
0x1b: {  	s9 =	sadd.s32 $0xFFFFFEF7, lr;
	s5 =	simm.s32 $0xFFFFFFFF;
	p2 =	slt.u32 s8, $0xFFFFF086  }
0x1c: {  	p1 =	slt.u32 s9, $0xF7A;
	s5 =	simm.s32 @!p2 $0x0  }
0x1d: {  	s5 =	simm.s32 @p1 $0x1;
	p0 =	seq.s32 s7, s2  }
0x1e: {  	s7 =	smul.u32 @!p0 $0xF7A, s2;
	p2 =	seq.s32 @!p0 s5, $0x0  }
0x1f: {  	s9 =	smul.u32 $0xF7A, s1;
	s8 =	simm.s32 @!p0 $0x1BF5;
	p2 =	por !p2, p0  }
0x20: {  	[sflag:s8] =	ssyncset.s32 @!p0 $0xFFFFF086;
	s6 =	sadd.s32 @!p0 s3, s7;
	s7 =	simm.s32 @!p0 $0x108  }
0x21: {  	s3 =	sadd.s32 s3, s9;
	s6 =	sadd.s32 @!p0 $0x88, s6;
	s7 =	simm.s32 @p2 $0x1082  }
0x22: {  	[simem:s7], [sflag:s8] =	dma.local @!p0 [hbm:s6], $0xF7A  }
0x23: {  	s9 =	sor.u32 $0xD0000000, s2;
	s6 =	simm.s32 $0x108;
	_ =	swait.ge @!p0 [sflag:s8], $0x0  }
0x24: {  	s3 =	sadd.s32 $0x88, s3;
	s6 =	simm.s32 @!p1 $0x1082;
	[sflag:s4] =	ssyncset.s32 $0xFFFFF086  }
0x25: {  	[simem:s6], [sflag:s4] =	dma.local [hbm:s3], $0xF7A  }
0x26: {  	[smem:$0x3F93] =	sst s1;
	(tag) =	ssettag s2;
	_ =	strace s9  }
0x27: {  	s1 =	sld [smem:$0x3FA3]  }
0x28: {  	s2 =	sld [smem:$0x3FA4]  }
0x29: {  	s4 =	sld [smem:$0x3FA6]  }
0x2a: {  	p0 =	seq.s32 s5, $0x0;
	s5 =	sld [smem:$0x3FA7]  }
0x2b: {  	s6 =	sld [smem:$0x3FA8]  }
0x2c: {  	s7 =	sld [smem:$0x3FA9]  }
0x2d: {  	s3 =	simm.s32 $0x108;
	s8 =	sld [smem:$0x3FAA]  }
0x2e: {  	s3 =	simm.s32 @!p0 $0x1082;
	s9 =	sld [smem:$0x3FAB]  }
0x2f: {  	lr =	sadd.s32 s0, s3;
	s0 =	sld [smem:$0x3FA2]  }
0x30: {  	s3 =	sld [smem:$0x3FA5]  }
0x31: {  	[smem:$0x3FAE] =	sst s10  }
0x32: {  	s10 =	sld [smem:$0x3FAC];
	_ =	sdelay $0x3  }
0x33: {  	p0 =	seq.s32 s10, $0x1;
	s10 =	sld [smem:$0x3FAE];
	_ =	sdelay $0x3  }
0x34: {  	[smem:$0x3FAE] =	sst s10  }
0x35: {  	s10 =	sld [smem:$0x3FAD];
	_ =	sdelay $0x3  }
0x36: {  	p1 =	seq.s32 s10, $0x1;
	s10 =	sld [smem:$0x3FAE];
	_ =	sdelay $0x3  }
0x37: {  	[smem:$0x3FAE] =	sst s10  }
0x38: {  	s10 =	sld [smem:$0x3FAF]  }
0x39: {  	_ = 	snop;
	(pc) =	sbr.ind lr, $3  }
0x3a: {  	_ = 	snop  }
0x3b: {  	_ = 	snop  }
0x3c: {  	p2 =	seq.s32 s10, $0x1;
	s10 =	sld [smem:$0x3FAE]  }
0x3d: {  	_ =	shalt  }
0x3e: {  	_ =	shalt  }
0x3f: {  	_ =	shalt  }
0x40: {  	_ =	shalt  }
0x41: {  	_ =	shalt  }
0x42: {  	_ =	shalt  }
0x43: {  	_ =	shalt  }
0x44: {  	_ =	shalt  }
0x45: {  	_ =	shalt  }
0x46: {  	_ =	shalt  }
0x47: {  	_ =	shalt  }
0x48: {  	_ =	shalt  }
0x49: {  	_ =	shalt  }
0x4a: {  	_ =	shalt  }
0x4b: {  	_ =	shalt  }
0x4c: {  	_ =	shalt  }
0x4d: {  	_ =	shalt  }
0x4e: {  	_ =	shalt  }
0x4f: {  	_ =	shalt  }
0x50: {  	_ =	shalt  }
0x51: {  	_ =	shalt  }
0x52: {  	_ =	shalt  }
0x53: {  	_ =	shalt  }
0x54: {  	_ =	shalt  }
0x55: {  	_ =	shalt  }
0x56: {  	_ =	shalt  }
0x57: {  	_ =	shalt  }
0x58: {  	_ =	shalt  }
0x59: {  	_ =	shalt  }
0x5a: {  	_ =	shalt  }
0x5b: {  	_ =	shalt  }
0x5c: {  	_ =	shalt  }
0x5d: {  	_ =	shalt  }
0x5e: {  	_ =	shalt  }
0x5f: {  	_ =	shalt  }
0x60: {  	_ =	shalt  }
0x61: {  	_ =	shalt  }
0x62: {  	_ =	shalt  }
0x63: {  	_ =	shalt  }
0x64: {  	_ =	shalt  }
0x65: {  	_ =	shalt  }
0x66: {  	_ =	shalt  }
0x67: {  	_ =	shalt  }
0x68: {  	_ =	shalt  }
0x69: {  	_ =	shalt  }
0x6a: {  	_ =	shalt  }
0x6b: {  	_ =	shalt  }
0x6c: {  	_ =	shalt  }
0x6d: {  	_ =	shalt  }
0x6e: {  	_ =	shalt  }
0x6f: {  	_ =	shalt  }
0x70: {  	_ =	shalt  }
0x71: {  	_ =	shalt  }
0x72: {  	_ =	shalt  }
0x73: {  	_ =	shalt  }
0x74: {  	_ =	shalt  }
0x75: {  	_ =	shalt  }
0x76: {  	_ =	shalt  }
0x77: {  	_ =	shalt  }
0x78: {  	_ =	shalt  }
0x79: {  	_ =	shalt  }
0x7a: {  	_ =	shalt  }
0x7b: {  	_ =	shalt  }
0x7c: {  	_ =	shalt  }
0x7d: {  	_ =	shalt  }
0x7e: {  	_ =	shalt  }
0x7f: {  	_ =	shalt  }
0x80: {  	_ =	shalt  }
0x81: {  	_ =	shalt  }
0x82: {  	_ =	shalt  }
0x83: {  	_ =	shalt  }
0x84: {  	_ =	shalt  }
0x85: {  	_ =	shalt  }
0x86: {  	_ =	shalt  }
0x87: {  	_ =	shalt  }
.Lfunc_end0:
.L_simem_size_0:
called_computation.1_lowered:
.L_overlay_start_0:
0x88: {  	s2 =	sld [smem:$0x3FD9]  }
0x89: {  	s3 =	sld [smem:$0x3FFE];
	_ =	sdelay $0x1  }
0x8a: {  	s1 =	srdreg.scid  }
0x8b: {  	s0 =	sand.u32 $0x1, s1  }
0x8c: {  	s17 =	sshll.u32 s0, $0xA;
	s2 =	sadd.s32 s3, s2  }
0x8d: {  	s2 =	sadd.s32 s2, s17  }
0x8e: {  	[smem:$0x3FBA] =	sst s2  }
0x8f: {  	_ = 	snop  }
0x90: {  	s2 =	sld [smem:$0x3FD0];
	(tm) =	ssettm $0x1  }
0x91: {  	s18 =	sld [smem:$0x3FFB];
	_ =	sdelay $0x3  }
0x92: {  	_ =	strace s18  }
0x93: {  	s3 =	sld [smem:$0x3FFC];
	_ =	sdelay $0x3  }
0x94: {  	_ =	strace s3  }
0x95: {  	s3 =	sld [smem:$0x3FFD];
	_ =	sdelay $0x3  }
0x96: {  	_ =	strace s3  }
0x97: {  	_ =	strace $0x8FFFFFFF  }
0x98: {  	s19 =	sld [smem:$0x3FDB];
	_ =	sdelay $0x1  }
0x99: {  	s4 =	simm.s32 $_scs_section_size  }
0x9a: {  	s5 =	simm.s32 $_size__tile_overlayer_lowered;
	s6 =	simm.s32 $_tile_overlayer_lowered  }
0x9b: {  	s22 =	simm.s32 $0x1BFF;
	s21 =	sshll.u32 s6, $0x1;
	s3 =	sadd.s32 s4, s19  }
0x9c: {  	s7 =	simm.s32 $0x0;
	s20 =	sshll.u32 s5, $0x1;
	s5 =	sadd.s32 s21, s3  }
0x9d: {  	[timem:s7], [sflag:s22] =	dma.local [hbm:s5], s20  }
0x9e: {  	_ =	swait.ge [sflag:s22], s20  }
0x9f: {  	s4 =	ssub.s32 $0x0, s20;
	[sflag:s22] =	ssyncset.done $0x0  }
0xa0: {  	[sflag:s22] =	ssyncadd.s32 s4;
	_ =	sdelay $0x1  }
0xa1: {  	s23 =	simm.s32 $0x1B8B  }
0xa2: {  	_ =	swait.ge [sflag:s23], $0x1  }
0xa3: {  	[sflag:s23] =	ssyncset.done $0x0  }
0xa4: {  	s25 =	simm.s32 $0x1B8E;
	s24 =	sld [smem:$0x3FFE];
	[sflag:s23] =	ssyncadd.s32 $0xFFFFFFFF  }
0xa5: {  	s26 =	simm.s32 $execute0_lowered;
	[smem:$0x3FD2] =	sst s25  }
0xa6: {  	s5 =	sshll.u32 s26, $0x1;
	_ =	strace $0x80000049;
	[dreg:$0x1] =	wrdreg $0xFFFFFFFF  }
0xa7: {  	s28 =	simm.s32 $_size_execute0_lowered;
	s3 =	sadd.s32 s3, s5;
	[dreg:$0x0] =	wrdreg $0x0  }
0xa8: {  	s5 =	sshll.u32 s28, $0x1;
	[dreg:$0x2] =	wrdreg s3  }
0xa9: {  	[dreg:$0x3] =	wrdreg s5  }
0xaa: {  	[dreg:$0x4] =	wrdreg $0xC0  }
0xab: {  	_ =	task [dreg:s7], $0x5FFFF  }
0xac: {  	[dreg:$0x1] =	wrdreg $0xFFFFFFFF  }
0xad: {  	[dreg:$0x0] =	wrdreg $0x60  }
0xae: {  	[dreg:$0x2] =	wrdreg s24  }
0xaf: {  	[dreg:$0x3] =	wrdreg s2  }
0xb0: {  	[dreg:$0x4] =	wrdreg $0x82000  }
0xb1: {  	[dreg:$0x5] =	wrdreg $0x9  }
0xb2: {  	_ =	task.clear_ibuf [dreg:s7], $0x6FFFF;
	_ =	strace $0x90000049  }
0xb3: {  	s29 =	simm.s32 $0x9;
	_ =	strace $0x8000004B  }
0xb4: {  	_ =	swait.ge [sflag:s29], $0x1  }
0xb5: {  	[sflag:s29] =	ssyncadd.s32 $0xFFFFFFFF  }
0xb6: {  	_ =	strace $0x9000004B  }
0xb7: {  	_ =	sfence  }
0xb8: {  	s30 =	sld [smem:$0x0];
	_ =	sdelay $0x2  }
0xb9: {  	s31 =	sshll.u32 s1, $0xD;
	s1 =	sshrl.u32 s1, $0x2  }
0xba: {  	s3 =	sand.u32 $0x4000, s31;
	s1 =	sadd.s32 s1, s30  }
0xbb: {  	s0 =	sor.u32 s3, s0;
	s1 =	sshll.u32 s1, $0x11  }
0xbc: {  	s0 =	sor.u32 s1, s0  }
0xbd: {  	s0 =	sadd.s32 $0x8F2B, s0  }
0xbe: {  	[sflag:s0] =	ssyncadd.remote.s32 $0x1  }
0xbf: {  	_ =	sfence.sel $0xFFFF  }
0xc0: {  	[dreg:$0x0] =	wrdreg $0xFFFFFFFF;
	(pc) =	sbr.abs _section_cstart, $3  }
0xc1: {  	[dreg:$0x1] =	wrdreg $0xFFFFFFFF  }
0xc2: {  	_ =	task.clear_ibuf [dreg:s7], $0x2FFFF;
	_ =	strace $0x9FFFFFFF  }
0xc3: {  	(tm) =	ssettm $0x7FFFFFFF  }
tec
execute0_lowered:
.L_overlay_start_1:
0x0: {  	(tag) =	ssettag $0x1  }
0x1: {  	s6 =	rddreg [dreg:$0x0]  }
0x2: {  	s12 =	rddreg [dreg:$0x1]  }
0x3: {  	s1 =	rddreg [dreg:$0x2];
	s2 =	srdreg.scid  }
0x4: {  	s0 =	rddreg [dreg:$0x3];
	s3 =	simm.s32 $0x0;
	s16 =	simm.s32 $0x200  }
0x5: {  	s17 =	simm.s32 $0x100;
	s18 =	simm.s32 $0x4200;
	s19 =	simm.s32 $0x1  }
0x6: {  	s20 =	simm.s32 $0x2;
	s21 =	simm.s32 $0x180;
	s7 =	sand.u32 $0x1, s2  }
0x7: {  	s22 =	simm.s32 $0x0;
	s2 =	stileid.u32;
	s8 =	smul.u32 $0x140000, s7  }
0x8: {  	[smem:$0x7FF] =	sst s3;
	s4 =	sadd.s32 $0xF400, s6;
	s9 =	smul.u32 $0x14000, s2  }
0x9: {  	s5 =	sadd.s32 $0xCC00, s6;
	_ =	strace $0x8000004A;
	s11 =	smul.u32 $0x50000, s2  }
0xa: {  	s24 =	sshll.u32 s2, $0x1;
	s10 =	ssub.s32 $0x2, s7;
	s25 =	smul.u32 $0xA000, s2  }
0xb: {  	s28 =	sshll.u32 s2, $0x6;
	s14 =	smul.u32 $0x5000, s7;
	s13 =	sshrl.u32 s10, $0x1  }
0xc: {  	s8 =	sadd.s32 s9, s8;
	s9 =	sor.u32 s7, s24;
	s10 =	ssub.s32 s10, s13  }
0xd: {  	s26 =	sshrl.u32 s11, $0x2;
	s30 =	sadd.s32 s14, s25;
	s14 =	simm.s32 $0x3  }
0xe: {  	s8 =	sshrl.u32 s8, $0x3;
	s9 =	smul.u32 $0x5000, s9;
	s15 =	sadd.s32 s26, s1  }
0xf: {  	s13 =	sor.u32 $0x200, s30;
	s11 =	sor.u32 $0x100, s30;
	s8 =	sadd.s32 s8, s6  }
0x10: {  	s6 =	sor.u32 $0x1C03, s28;
	s13 =	sshrl.u32 s13, $0x3;
	s31 =	sshrl.u32 s11, $0x3  }
0x11: {  	s29 =	sshrl.u32 s9, $0x3;
	s8 =	sadd.s32 $0x37400, s8;
	s9 =	smax.u32 s10, $0x1  }
0x12: {  	s11 =	sadd.s32 s13, s12;
	s13 =	sshrl.u32 s15, $0x3;
	s7 =	sadd.s32 s12, s29  }
0x13: {  	s15 =	simm.s32 $0x80;
	s12 =	sadd.s32 s31, s12;
	s10 =	sadd.s32 $0x9E0, s7  }
.LBB2_1:
0x14: {  	[spmem:s13], [sflag:s6] =	dma.local [hbm:s5], $0x2800  }
0x15: {  	_ =	swait.ge [sflag:s14], $0x2800  }
0x16: {  	[sflag:s14] =	ssyncset.done $0x0  }
0x17: {  	[sflag:s14] =	ssyncadd.s32 $0xFFFFD800  }
0x18: {  	[bflag:$0x0] =	sbarrier.arrive $0xFFFF  }
0x19: {  	[tilespmem:s3], [sflag:$0x3] =	stream.linear.gather [hbm4b:s7+s3], $0x100, $0x38;
	[tilespmem:$0x1C200] =	vst v63  }
0x1a: {  	_ =	swait.ge [sflag:s14], $0x100  }
0x1b: {  	[sflag:s14] =	ssyncset.done $0x0  }
0x1c: {  	[sflag:s14] =	ssyncadd.s32 $0xFFFFFF00  }
0x1d: {  	[tilespmem:s16], [sflag:$0x1] =	stream.indirect.gather [hbm4b:s4+s15], $0x80, s3, s15, $0xb8;
	[tilespmem:$0x1C200] =	vst v63  }
0x1e: {  	s23 =	sadd.s32 $0x0, s12  }
0x1f: {  	[tilespmem:s17], [sflag:$0x3] =	stream.linear.gather [hbm4b:s23+s3], $0x100, $0x38;
	[tilespmem:$0x1C200] =	vst v63  }
0x20: {  	_ =	swait.ge [sflag:s14], $0x100  }
0x21: {  	[sflag:s14] =	ssyncset.done $0x0  }
0x22: {  	[sflag:s14] =	ssyncadd.s32 $0xFFFFFF00  }
0x23: {  	[tilespmem:s18], [sflag:$0x2] =	stream.indirect.gather [hbm4b:s4+s15], $0x80, s17, s15, $0xb8;
	[tilespmem:$0x1C200] =	vst v63  }
0x24: {  	_ =	swait.ge [sflag:s19], $0x4000  }
0x25: {  	[sflag:s19] =	ssyncset.done $0x0  }
0x26: {  	[sflag:s19] =	ssyncadd.s32 $0xFFFFC000  }
0x27: {  	[spmem:s1] =	stream.indirect.scatter.add.f32 [tilespmem:s16], [sflag:$0x3], $0x80, s15, s15, $0xb8;
	[tilespmem:$0x1C200] =	vst v63  }
0x28: {  	_ =	swait.ge [sflag:s14], $0x4000  }
0x29: {  	[sflag:s14] =	ssyncset.done $0x0  }
0x2a: {  	s31 =	sadd.s32 $0x0, s11;
	[sflag:s14] =	ssyncadd.s32 $0xFFFFC000  }
0x2b: {  	[tilespmem:s3], [sflag:$0x3] =	stream.linear.gather [hbm4b:s31+s3], $0x100, $0x38;
	[tilespmem:$0x1C200] =	vst v63  }
0x2c: {  	_ =	swait.ge [sflag:s14], $0x100  }
0x2d: {  	[sflag:s14] =	ssyncset.done $0x0  }
0x2e: {  	[sflag:s14] =	ssyncadd.s32 $0xFFFFFF00  }
0x2f: {  	[tilespmem:s16], [sflag:$0x1] =	stream.indirect.gather [hbm4b:s4+s15], $0x80, s3, s15, $0xb8;
	[tilespmem:$0x1C200] =	vst v63  }
0x30: {  	_ =	swait.ge [sflag:s20], $0x4000  }
0x31: {  	[sflag:s20] =	ssyncset.done $0x0  }
0x32: {  	[sflag:s20] =	ssyncadd.s32 $0xFFFFC000  }
0x33: {  	[spmem:s1] =	stream.indirect.scatter.add.f32 [tilespmem:s18], [sflag:$0x3], $0x80, s21, s15, $0xb8;
	[tilespmem:$0x1C200] =	vst v63  }
0x34: {  	_ =	swait.ge [sflag:s14], $0x4000  }
0x35: {  	s24 =	simm.s32 $0x80;
	s23 =	simm.s32 $0x40;
	[sflag:s14] =	ssyncset.done $0x0  }
.LBB2_2:
0x36: {  	s25 =	sadd.s32 s23, s12  }
0x37: {  	[sflag:s14] =	ssyncadd.s32 $0xFFFFC000;
	s26 =	smov.u32 s24;
	s28 =	sadd.s32 $0x40, s24  }
0x38: {  	[tilespmem:s17], [sflag:$0x3] =	stream.linear.gather [hbm4b:s25+s3], $0x100, $0x38;
	[tilespmem:$0x1C200] =	vst v63  }
0x39: {  	p0 =	sne.s32 s24, $0x980;
	_ =	swait.ge [sflag:s14], $0x100  }
0x3a: {  	[sflag:s14] =	ssyncset.done $0x0  }
0x3b: {  	[sflag:s14] =	ssyncadd.s32 $0xFFFFFF00  }
0x3c: {  	[tilespmem:s18], [sflag:$0x2] =	stream.indirect.gather [hbm4b:s4+s15], $0x80, s17, s15, $0xb8;
	[tilespmem:$0x1C200] =	vst v63  }
0x3d: {  	_ =	swait.ge [sflag:s19], $0x4000  }
0x3e: {  	[sflag:s19] =	ssyncset.done $0x0  }
0x3f: {  	[sflag:s19] =	ssyncadd.s32 $0xFFFFC000  }
0x40: {  	[spmem:s1] =	stream.indirect.scatter.add.f32 [tilespmem:s16], [sflag:$0x3], $0x80, s15, s15, $0xb8;
	[tilespmem:$0x1C200] =	vst v63  }
0x41: {  	_ =	swait.ge [sflag:s14], $0x4000  }
0x42: {  	[sflag:s14] =	ssyncset.done $0x0  }
0x43: {  	s24 =	sadd.s32 s23, s11;
	s23 =	smov.u32 s26;
	[sflag:s14] =	ssyncadd.s32 $0xFFFFC000  }
0x44: {  	[tilespmem:s3], [sflag:$0x3] =	stream.linear.gather [hbm4b:s24+s3], $0x100, $0x38;
	[tilespmem:$0x1C200] =	vst v63  }
0x45: {  	_ =	swait.ge [sflag:s14], $0x100  }
0x46: {  	[sflag:s14] =	ssyncset.done $0x0  }
0x47: {  	[sflag:s14] =	ssyncadd.s32 $0xFFFFFF00  }
0x48: {  	[tilespmem:s16], [sflag:$0x1] =	stream.indirect.gather [hbm4b:s4+s15], $0x80, s3, s15, $0xb8;
	[tilespmem:$0x1C200] =	vst v63  }
0x49: {  	_ =	swait.ge [sflag:s20], $0x4000  }
.Ltmp0:
0x4a: {  	[sflag:s20] =	ssyncset.done $0x0;
	(pc) =	sbr.rel @p0 .LBB2_2-.Ltmp0, $4  }
0x4b: {  	[sflag:s20] =	ssyncadd.s32 $0xFFFFC000  }
0x4c: {  	[spmem:s1] =	stream.indirect.scatter.add.f32 [tilespmem:s18], [sflag:$0x3], $0x80, s21, s15, $0xb8;
	[tilespmem:$0x1C200] =	vst v63  }
0x4d: {  	_ =	swait.ge [sflag:s14], $0x4000  }
0x4e: {  	s24 =	smov.u32 s28;
	[sflag:s14] =	ssyncset.done $0x0  }
0x4f: {  	s24 =	sadd.s32 s23, s12;
	[sflag:s14] =	ssyncadd.s32 $0xFFFFC000  }
0x50: {  	[tilespmem:s17], [sflag:$0x3] =	stream.linear.gather [hbm4b:s24+s3], $0x100, $0x38;
	[tilespmem:$0x1C200] =	vst v63  }
0x51: {  	_ =	swait.ge [sflag:s14], $0x100  }
0x52: {  	[sflag:s14] =	ssyncset.done $0x0  }
0x53: {  	[sflag:s14] =	ssyncadd.s32 $0xFFFFFF00  }
0x54: {  	[tilespmem:s18], [sflag:$0x2] =	stream.indirect.gather [hbm4b:s4+s15], $0x80, s17, s15, $0xb8;
	[tilespmem:$0x1C200] =	vst v63  }
0x55: {  	_ =	swait.ge [sflag:s19], $0x4000  }
0x56: {  	[sflag:s19] =	ssyncset.done $0x0  }
0x57: {  	[sflag:s19] =	ssyncadd.s32 $0xFFFFC000  }
0x58: {  	[spmem:s1] =	stream.indirect.scatter.add.f32 [tilespmem:s16], [sflag:$0x3], $0x80, s15, s15, $0xb8;
	[tilespmem:$0x1C200] =	vst v63  }
0x59: {  	_ =	swait.ge [sflag:s14], $0x4000  }
0x5a: {  	[sflag:s14] =	ssyncset.done $0x0  }
0x5b: {  	s31 =	sadd.s32 s23, s11;
	[sflag:s14] =	ssyncadd.s32 $0xFFFFC000  }
0x5c: {  	[tilespmem:s3], [sflag:$0x3] =	stream.linear.gather [hbm4b:s31+s3], $0x100, $0x38;
	[tilespmem:$0x1C200] =	vst v63  }
0x5d: {  	_ =	swait.ge [sflag:s14], $0x100  }
0x5e: {  	[sflag:s14] =	ssyncset.done $0x0  }
0x5f: {  	[sflag:s14] =	ssyncadd.s32 $0xFFFFFF00  }
0x60: {  	[tilespmem:s16], [sflag:$0x1] =	stream.indirect.gather [hbm4b:s4+s15], $0x80, s3, s15, $0xb8;
	[tilespmem:$0x1C200] =	vst v63  }
0x61: {  	_ =	swait.ge [sflag:s20], $0x4000  }
0x62: {  	[sflag:s20] =	ssyncset.done $0x0  }
0x63: {  	[sflag:s20] =	ssyncadd.s32 $0xFFFFC000  }
0x64: {  	[spmem:s1] =	stream.indirect.scatter.add.f32 [tilespmem:s18], [sflag:$0x3], $0x80, s21, s15, $0xb8;
	[tilespmem:$0x1C200] =	vst v63  }
0x65: {  	_ =	swait.ge [sflag:s14], $0x4000  }
0x66: {  	[sflag:s14] =	ssyncset.done $0x0  }
0x67: {  	[sflag:s14] =	ssyncadd.s32 $0xFFFFC000  }
0x68: {  	[tilespmem:s17], [sflag:$0x3] =	stream.linear.gather [hbm4b:s10+s3], $0x100, $0x38;
	[tilespmem:$0x1C200] =	vst v63  }
0x69: {  	_ =	swait.ge [sflag:s14], $0x100  }
0x6a: {  	[sflag:s14] =	ssyncset.done $0x0  }
0x6b: {  	[sflag:s14] =	ssyncadd.s32 $0xFFFFFF00  }
0x6c: {  	[tilespmem:s18], [sflag:$0x2] =	stream.indirect.gather [hbm4b:s4+s15], $0x80, s17, s15, $0xb8;
	[tilespmem:$0x1C200] =	vst v63  }
0x6d: {  	_ =	swait.ge [sflag:s19], $0x4000  }
0x6e: {  	[sflag:s19] =	ssyncset.done $0x0  }
0x6f: {  	[sflag:s19] =	ssyncadd.s32 $0xFFFFC000  }
0x70: {  	[spmem:s1] =	stream.indirect.scatter.add.f32 [tilespmem:s16], [sflag:$0x3], $0x80, s15, s15, $0xb8;
	[tilespmem:$0x1C200] =	vst v63  }
0x71: {  	_ =	swait.ge [sflag:s14], $0x4000  }
0x72: {  	[sflag:s14] =	ssyncset.done $0x0  }
0x73: {  	[sflag:s14] =	ssyncadd.s32 $0xFFFFC000  }
0x74: {  	_ =	swait.ge [sflag:s20], $0x4000  }
0x75: {  	[sflag:s20] =	ssyncset.done $0x0  }
0x76: {  	[sflag:s20] =	ssyncadd.s32 $0xFFFFC000  }
0x77: {  	[spmem:s1] =	stream.indirect.scatter.add.f32 [tilespmem:s18], [sflag:$0x3], $0x80, s21, s15, $0xb8;
	[tilespmem:$0x1C200] =	vst v63  }
0x78: {  	_ =	swait.ge [sflag:s14], $0x4000  }
0x79: {  	s22 =	sadd.s32 $0x1, s22;
	[sflag:s14] =	ssyncset.done $0x0  }
0x7a: {  	p0 =	sne.s32 s22, s9;
	[sflag:s14] =	ssyncadd.s32 $0xFFFFC000  }
.Ltmp1:
0x7b: {  	[bflag:$0x0] =	sbarrier.arrive $0xFFFF;
	(pc) =	sbr.rel @p0 .LBB2_1-.Ltmp1, $4  }
0x7c: {  	[hbm:s8], [sflag:s6] =	dma.local [spmem:s13], $0x2800  }
0x7d: {  	_ =	swait.ge [sflag:s14], $0x2800  }
0x7e: {  	[sflag:s14] =	ssyncset.done $0x0  }
0x7f: {  	[sflag:s14] =	ssyncadd.s32 $0xFFFFD800  }
0x80: {  	_ =	sfence.sel $0x180000  }
0x81: {  	[bflag:$0x0] =	sbarrier.arrive $0xFFFF  }
0x82: {  	p0 =	sne.s32 s2, $0x0;
	_ =	strace $0x9000004A  }
0x83: {  	s0 =	sadd.s32 @!p0 $0x100000, s0;
	[bflag:$0x2] =	sbarrier.arrive $0xFFFF  }
0x84: {  	[sflag:s0] =	ssyncadd.tile.s32 @!p0 $0x1;
	_ =	shalt  }
.Lfunc_end2:
_tile_overlayer_lowered:
.L_overlay_start_2:
0x85: {  	(tag) =	ssettag $0x2  }
0x86: {  	s0 =	rddreg [dreg:$0x0];
	s2 =	stileid.u32  }
0x87: {  	s1 =	rddreg [dreg:$0x1];
	p0 =	sne.s32 s2, $0x0  }
0x88: {  	s3 =	rddreg [dreg:$0x2];
	[bflag:$0x3] =	sbarrier.arrive $0xFFFF;
	s2 =	simm.s32 @!p0 $0x1C03  }
0x89: {  	[timem:s3], [sflag:s2] =	dma.local @!p0 [hbm:s0], s1  }
0x8a: {  	s0 =	simm.s32 @!p0 $0x3  }
0x8b: {  	_ =	swait.ge @!p0 [sflag:s0], s1  }
0x8c: {  	s1 =	ssub.s32 @!p0 $0x0, s1;
	[sflag:s0] =	ssyncset.done @!p0 $0x0  }
0x8d: {  	[sflag:s0] =	ssyncadd.s32 @!p0 s1  }
0x8e: {  	[bflag:$0x3] =	sbarrier.arrive $0xFFFF  }
0x8f: {  	_ =	shalt  }

// kernel: kernel.7.cloned.1.call-start
scs
__scs_entry_jumppad:
0x0: {  	(pc) =	sbr.rel $0x88, $3  }
0x1: {  	(tag) =	ssettag $0x0;
	lr =	simm.s32 $0x1  }
0x2: {  	[smem:$0x3F93] =	sst lr;
	_ =	strace $0xD0000000  }
0x3: {  	_ = 	snop  }
0x4: {  	_ = 	snop  }
0x5: {  	_ = 	snop  }
0x6: {  	_ = 	snop  }
0x7: {  	_ = 	snop  }
__scs_overlays_trampoline_lowered:
0x8: {  	[smem:$0x3FA2] =	sst s0  }
0x9: {  	[smem:$0x3FA3] =	sst s1  }
0xa: {  	[smem:$0x3FA4] =	sst s2  }
0xb: {  	[smem:$0x3FA5] =	sst s3  }
0xc: {  	[smem:$0x3FA6] =	sst s4  }
0xd: {  	[smem:$0x3FA7] =	sst s5  }
0xe: {  	[smem:$0x3FA8] =	sst s6  }
0xf: {  	[smem:$0x3FA9] =	sst s7  }
0x10: {  	[smem:$0x3FAA] =	sst s8  }
0x11: {  	[smem:$0x3FAB] =	sst s9;
	s0 =	simm.s32 @!p0 $0x0  }
0x12: {  	s1 =	sld [smem:$0x3F91];
	s0 =	simm.s32 @p0 $0x1  }
0x13: {  	[smem:$0x3FAC] =	sst s0;
	s0 =	simm.s32 @!p1 $0x0  }
0x14: {  	s2 =	sld [smem:$0x3F90];
	s0 =	simm.s32 @p1 $0x1  }
0x15: {  	[smem:$0x3FAD] =	sst s0;
	s0 =	simm.s32 @!p2 $0x0  }
0x16: {  	s3 =	sld [smem:$0x3FDB];
	s0 =	simm.s32 @p2 $0x1  }
0x17: {  	s4 =	simm.s32 $0x1BF5;
	[smem:$0x3FAF] =	sst s0  }
0x18: {  	s0 =	sld [smem:$0x3F92];
	_ =	swait.ge [sflag:s4], $0x0  }
0x19: {  	s7 =	sld [smem:$0x3F93]  }
0x1a: {  	s8 =	sadd.s32 $0xFFFFE003, lr  }
0x1b: {  	s9 =	sadd.s32 $0xFFFFFEF7, lr;
	s5 =	simm.s32 $0xFFFFFFFF;
	p2 =	slt.u32 s8, $0xFFFFF086  }
0x1c: {  	p1 =	slt.u32 s9, $0xF7A;
	s5 =	simm.s32 @!p2 $0x0  }
0x1d: {  	s5 =	simm.s32 @p1 $0x1;
	p0 =	seq.s32 s7, s2  }
0x1e: {  	s7 =	smul.u32 @!p0 $0xF7A, s2;
	p2 =	seq.s32 @!p0 s5, $0x0  }
0x1f: {  	s9 =	smul.u32 $0xF7A, s1;
	s8 =	simm.s32 @!p0 $0x1BF5;
	p2 =	por !p2, p0  }
0x20: {  	[sflag:s8] =	ssyncset.s32 @!p0 $0xFFFFF086;
	s6 =	sadd.s32 @!p0 s3, s7;
	s7 =	simm.s32 @!p0 $0x108  }
0x21: {  	s3 =	sadd.s32 s3, s9;
	s6 =	sadd.s32 @!p0 $0x88, s6;
	s7 =	simm.s32 @p2 $0x1082  }
0x22: {  	[simem:s7], [sflag:s8] =	dma.local @!p0 [hbm:s6], $0xF7A  }
0x23: {  	s9 =	sor.u32 $0xD0000000, s2;
	s6 =	simm.s32 $0x108;
	_ =	swait.ge @!p0 [sflag:s8], $0x0  }
0x24: {  	s3 =	sadd.s32 $0x88, s3;
	s6 =	simm.s32 @!p1 $0x1082;
	[sflag:s4] =	ssyncset.s32 $0xFFFFF086  }
0x25: {  	[simem:s6], [sflag:s4] =	dma.local [hbm:s3], $0xF7A  }
0x26: {  	[smem:$0x3F93] =	sst s1;
	(tag) =	ssettag s2;
	_ =	strace s9  }
0x27: {  	s1 =	sld [smem:$0x3FA3]  }
0x28: {  	s2 =	sld [smem:$0x3FA4]  }
0x29: {  	s4 =	sld [smem:$0x3FA6]  }
0x2a: {  	p0 =	seq.s32 s5, $0x0;
	s5 =	sld [smem:$0x3FA7]  }
0x2b: {  	s6 =	sld [smem:$0x3FA8]  }
0x2c: {  	s7 =	sld [smem:$0x3FA9]  }
0x2d: {  	s3 =	simm.s32 $0x108;
	s8 =	sld [smem:$0x3FAA]  }
0x2e: {  	s3 =	simm.s32 @!p0 $0x1082;
	s9 =	sld [smem:$0x3FAB]  }
0x2f: {  	lr =	sadd.s32 s0, s3;
	s0 =	sld [smem:$0x3FA2]  }
0x30: {  	s3 =	sld [smem:$0x3FA5]  }
0x31: {  	[smem:$0x3FAE] =	sst s10  }
0x32: {  	s10 =	sld [smem:$0x3FAC];
	_ =	sdelay $0x3  }
0x33: {  	p0 =	seq.s32 s10, $0x1;
	s10 =	sld [smem:$0x3FAE];
	_ =	sdelay $0x3  }
0x34: {  	[smem:$0x3FAE] =	sst s10  }
0x35: {  	s10 =	sld [smem:$0x3FAD];
	_ =	sdelay $0x3  }
0x36: {  	p1 =	seq.s32 s10, $0x1;
	s10 =	sld [smem:$0x3FAE];
	_ =	sdelay $0x3  }
0x37: {  	[smem:$0x3FAE] =	sst s10  }
0x38: {  	s10 =	sld [smem:$0x3FAF]  }
0x39: {  	_ = 	snop;
	(pc) =	sbr.ind lr, $3  }
0x3a: {  	_ = 	snop  }
0x3b: {  	_ = 	snop  }
0x3c: {  	p2 =	seq.s32 s10, $0x1;
	s10 =	sld [smem:$0x3FAE]  }
0x3d: {  	_ =	shalt  }
0x3e: {  	_ =	shalt  }
0x3f: {  	_ =	shalt  }
0x40: {  	_ =	shalt  }
0x41: {  	_ =	shalt  }
0x42: {  	_ =	shalt  }
0x43: {  	_ =	shalt  }
0x44: {  	_ =	shalt  }
0x45: {  	_ =	shalt  }
0x46: {  	_ =	shalt  }
0x47: {  	_ =	shalt  }
0x48: {  	_ =	shalt  }
0x49: {  	_ =	shalt  }
0x4a: {  	_ =	shalt  }
0x4b: {  	_ =	shalt  }
0x4c: {  	_ =	shalt  }
0x4d: {  	_ =	shalt  }
0x4e: {  	_ =	shalt  }
0x4f: {  	_ =	shalt  }
0x50: {  	_ =	shalt  }
0x51: {  	_ =	shalt  }
0x52: {  	_ =	shalt  }
0x53: {  	_ =	shalt  }
0x54: {  	_ =	shalt  }
0x55: {  	_ =	shalt  }
0x56: {  	_ =	shalt  }
0x57: {  	_ =	shalt  }
0x58: {  	_ =	shalt  }
0x59: {  	_ =	shalt  }
0x5a: {  	_ =	shalt  }
0x5b: {  	_ =	shalt  }
0x5c: {  	_ =	shalt  }
0x5d: {  	_ =	shalt  }
0x5e: {  	_ =	shalt  }
0x5f: {  	_ =	shalt  }
0x60: {  	_ =	shalt  }
0x61: {  	_ =	shalt  }
0x62: {  	_ =	shalt  }
0x63: {  	_ =	shalt  }
0x64: {  	_ =	shalt  }
0x65: {  	_ =	shalt  }
0x66: {  	_ =	shalt  }
0x67: {  	_ =	shalt  }
0x68: {  	_ =	shalt  }
0x69: {  	_ =	shalt  }
0x6a: {  	_ =	shalt  }
0x6b: {  	_ =	shalt  }
0x6c: {  	_ =	shalt  }
0x6d: {  	_ =	shalt  }
0x6e: {  	_ =	shalt  }
0x6f: {  	_ =	shalt  }
0x70: {  	_ =	shalt  }
0x71: {  	_ =	shalt  }
0x72: {  	_ =	shalt  }
0x73: {  	_ =	shalt  }
0x74: {  	_ =	shalt  }
0x75: {  	_ =	shalt  }
0x76: {  	_ =	shalt  }
0x77: {  	_ =	shalt  }
0x78: {  	_ =	shalt  }
0x79: {  	_ =	shalt  }
0x7a: {  	_ =	shalt  }
0x7b: {  	_ =	shalt  }
0x7c: {  	_ =	shalt  }
0x7d: {  	_ =	shalt  }
0x7e: {  	_ =	shalt  }
0x7f: {  	_ =	shalt  }
0x80: {  	_ =	shalt  }
0x81: {  	_ =	shalt  }
0x82: {  	_ =	shalt  }
0x83: {  	_ =	shalt  }
0x84: {  	_ =	shalt  }
0x85: {  	_ =	shalt  }
0x86: {  	_ =	shalt  }
0x87: {  	_ =	shalt  }
.Lfunc_end0:
.L_simem_size_0:
called_computation_lowered:
.L_overlay_start_0:
0x88: {  	s2 =	sld [smem:$0x3FD9]  }
0x89: {  	s3 =	sld [smem:$0x3FFE];
	_ =	sdelay $0x1  }
0x8a: {  	s1 =	srdreg.scid  }
0x8b: {  	s0 =	sand.u32 $0x1, s1  }
0x8c: {  	s16 =	sshll.u32 s0, $0xA;
	s2 =	sadd.s32 s3, s2  }
0x8d: {  	s2 =	sadd.s32 s2, s16  }
0x8e: {  	[smem:$0x3FBA] =	sst s2  }
0x8f: {  	_ = 	snop  }
0x90: {  	(tm) =	ssettm $0x1  }
0x91: {  	s17 =	sld [smem:$0x3FFB];
	_ =	sdelay $0x3  }
0x92: {  	_ =	strace s17  }
0x93: {  	s2 =	sld [smem:$0x3FFC];
	_ =	sdelay $0x3  }
0x94: {  	_ =	strace s2  }
0x95: {  	s2 =	sld [smem:$0x3FFD];
	_ =	sdelay $0x3  }
0x96: {  	_ =	strace s2  }
0x97: {  	_ =	strace $0x8FFFFFFF  }
0x98: {  	s18 =	sld [smem:$0x3FDB];
	_ =	sdelay $0x1  }
0x99: {  	s19 =	simm.s32 $_scs_section_size  }
0x9a: {  	s4 =	simm.s32 $_size__tile_overlayer_lowered;
	s5 =	simm.s32 $_tile_overlayer_lowered  }
0x9b: {  	s22 =	simm.s32 $0x1BFF;
	s21 =	sshll.u32 s5, $0x1;
	s2 =	sadd.s32 s19, s18  }
0x9c: {  	s6 =	simm.s32 $0x0;
	s20 =	sshll.u32 s4, $0x1;
	s4 =	sadd.s32 s21, s2  }
0x9d: {  	[timem:s6], [sflag:s22] =	dma.local [hbm:s4], s20  }
0x9e: {  	_ =	swait.ge [sflag:s22], s20  }
0x9f: {  	s3 =	ssub.s32 $0x0, s20;
	[sflag:s22] =	ssyncset.done $0x0  }
0xa0: {  	[sflag:s22] =	ssyncadd.s32 s3;
	_ =	sdelay $0x1  }
0xa1: {  	s23 =	simm.s32 $0x1B8B  }
0xa2: {  	_ =	swait.ge [sflag:s23], $0x1  }
0xa3: {  	[sflag:s23] =	ssyncset.done $0x0  }
0xa4: {  	s25 =	simm.s32 $0x1B8E;
	s24 =	sld [smem:$0x3FFE];
	[sflag:s23] =	ssyncadd.s32 $0xFFFFFFFF  }
0xa5: {  	s26 =	simm.s32 $execute0_lowered;
	[smem:$0x3FD2] =	sst s25  }
0xa6: {  	s4 =	sshll.u32 s26, $0x1;
	_ =	strace $0x80000046;
	[dreg:$0x1] =	wrdreg $0xFFFFFFFF  }
0xa7: {  	s28 =	simm.s32 $_size_execute0_lowered;
	s2 =	sadd.s32 s2, s4;
	[dreg:$0x0] =	wrdreg $0x0  }
0xa8: {  	s4 =	sshll.u32 s28, $0x1;
	[dreg:$0x2] =	wrdreg s2  }
0xa9: {  	[dreg:$0x3] =	wrdreg s4  }
0xaa: {  	[dreg:$0x4] =	wrdreg $0xC0  }
0xab: {  	_ =	task [dreg:s6], $0x5FFFF  }
0xac: {  	[dreg:$0x1] =	wrdreg $0xFFFFFFFF  }
0xad: {  	[dreg:$0x0] =	wrdreg $0x60  }
0xae: {  	[dreg:$0x2] =	wrdreg s24  }
0xaf: {  	[dreg:$0x3] =	wrdreg $0x41000  }
0xb0: {  	[dreg:$0x4] =	wrdreg $0x9  }
0xb1: {  	_ =	task.clear_ibuf [dreg:s6], $0x5FFFF;
	_ =	strace $0x90000046  }
0xb2: {  	s29 =	simm.s32 $0x9;
	_ =	strace $0x80000048  }
0xb3: {  	_ =	swait.ge [sflag:s29], $0x1  }
0xb4: {  	[sflag:s29] =	ssyncadd.s32 $0xFFFFFFFF  }
0xb5: {  	_ =	strace $0x90000048  }
0xb6: {  	_ =	sfence  }
0xb7: {  	s30 =	sld [smem:$0x0];
	_ =	sdelay $0x2  }
0xb8: {  	s31 =	sshll.u32 s1, $0xD;
	s1 =	sshrl.u32 s1, $0x2  }
0xb9: {  	s3 =	sand.u32 $0x4000, s31;
	s1 =	sadd.s32 s1, s30  }
0xba: {  	s0 =	sor.u32 s3, s0;
	s1 =	sshll.u32 s1, $0x11  }
0xbb: {  	s0 =	sor.u32 s1, s0  }
0xbc: {  	s0 =	sadd.s32 $0x8F2B, s0  }
0xbd: {  	[sflag:s0] =	ssyncadd.remote.s32 $0x1  }
0xbe: {  	_ =	sfence.sel $0xFFFF  }
0xbf: {  	[dreg:$0x0] =	wrdreg $0xFFFFFFFF;
	(pc) =	sbr.abs _section_cstart, $3  }
0xc0: {  	[dreg:$0x1] =	wrdreg $0xFFFFFFFF  }
0xc1: {  	_ =	task.clear_ibuf [dreg:s6], $0x2FFFF;
	_ =	strace $0x9FFFFFFF  }
0xc2: {  	(tm) =	ssettm $0x7FFFFFFF  }
0xc3: {  	_ =	shalt  }
tec
execute0_lowered:
.L_overlay_start_1:
0x0: {  	(tag) =	ssettag $0x1  }
0x1: {  	s6 =	rddreg [dreg:$0x0]  }
0x2: {  	s1 =	rddreg [dreg:$0x1]  }
0x3: {  	s2 =	srdreg.scid;
	s0 =	rddreg [dreg:$0x2]  }
0x4: {  	s3 =	simm.s32 $0x0;
	s16 =	simm.s32 $0x80;
	s17 =	simm.s32 $0x1  }
0x5: {  	s18 =	simm.s32 $0x2;
	s7 =	sand.u32 $0x1, s2;
	s2 =	stileid.u32  }
0x6: {  	s19 =	simm.s32 $0x0;
	[smem:$0x7FF] =	sst s3;
	s8 =	smul.u32 $0x140000, s7  }
0x7: {  	s12 =	sadd.s32 $0x2400, s6;
	s4 =	sadd.s32 $0xC400, s6;
	s9 =	smul.u32 $0x14000, s2  }
0x8: {  	s5 =	sadd.s32 $0xCC00, s6;
	_ =	strace $0x80000047;
	s11 =	smul.u32 $0x50000, s2  }
0x9: {  	s24 =	sshll.u32 s2, $0x1;
	s10 =	ssub.s32 $0x2, s7;
	s25 =	smul.u32 $0x5000, s2  }
0xa: {  	s28 =	sshll.u32 s2, $0x6;
	s14 =	smul.u32 $0x2800, s7;
	s13 =	sshrl.u32 s10, $0x1  }
0xb: {  	s8 =	sadd.s32 s9, s8;
	s9 =	sor.u32 s7, s24;
	s10 =	ssub.s32 s10, s13  }
0xc: {  	s26 =	sshrl.u32 s11, $0x2;
	s30 =	sadd.s32 s14, s25;
	s14 =	simm.s32 $0x3  }
0xd: {  	s8 =	sshrl.u32 s8, $0x3;
	s9 =	smul.u32 $0x2800, s9;
	s15 =	sadd.s32 s26, s1  }
0xe: {  	s13 =	sor.u32 $0x100, s30;
	s11 =	sor.u32 $0x80, s30;
	s8 =	sadd.s32 s8, s6  }
0xf: {  	s6 =	sor.u32 $0x1C03, s28;
	s13 =	sshrl.u32 s13, $0x3;
	s31 =	sshrl.u32 s11, $0x3  }
0x10: {  	s29 =	sshrl.u32 s9, $0x3;
	s8 =	sadd.s32 $0xF400, s8;
	s9 =	smax.u32 s10, $0x1  }
0x11: {  	s11 =	sadd.s32 s13, s12;
	s13 =	sshrl.u32 s15, $0x3;
	s7 =	sadd.s32 s12, s29  }
0x12: {  	s15 =	simm.s32 $0x100;
	s12 =	sadd.s32 s31, s12;
	s10 =	sadd.s32 $0x4F0, s7  }
.LBB2_1:
0x13: {  	[spmem:s13], [sflag:s6] =	dma.local [hbm:s5], $0x2800  }
0x14: {  	_ =	swait.ge [sflag:s14], $0x2800  }
0x15: {  	[sflag:s14] =	ssyncset.done $0x0  }
0x16: {  	[sflag:s14] =	ssyncadd.s32 $0xFFFFD800  }
0x17: {  	[tilespmem:s15], [sflag:$0x3] =	stream.linear.gather [hbm4b:s4+s3], $0x4000, $0x38;
	[tilespmem:$0x18100] =	vst v63  }
0x18: {  	_ =	swait.ge [sflag:s14], $0x4000  }
0x19: {  	[sflag:s14] =	ssyncset.done $0x0  }
0x1a: {  	[sflag:s14] =	ssyncadd.s32 $0xFFFFC000  }
0x1b: {  	[bflag:$0x0] =	sbarrier.arrive $0xFFFF  }
0x1c: {  	[tilespmem:s3], [sflag:$0x3] =	stream.linear.gather [hbm4b:s7+s3], $0x80, $0x38;
	[tilespmem:$0x18100] =	vst v63  }
0x1d: {  	_ =	swait.ge [sflag:s14], $0x80  }
0x1e: {  	[sflag:s14] =	ssyncset.done $0x0  }
0x1f: {  	[sflag:s14] =	ssyncadd.s32 $0xFFFFFF80  }
0x20: {  	[spmem:s1] =	stream.indirect.scatter.add.f32 [tilespmem:s15], [sflag:$0x1], $0x80, s3, s16, $0xb8;
	[tilespmem:$0x18100] =	vst v63  }
0x21: {  	s20 =	sadd.s32 $0x0, s12  }
0x22: {  	[tilespmem:s16], [sflag:$0x3] =	stream.linear.gather [hbm4b:s20+s3], $0x80, $0x38;
	[tilespmem:$0x18100] =	vst v63  }
0x23: {  	_ =	swait.ge [sflag:s14], $0x80  }
0x24: {  	[sflag:s14] =	ssyncset.done $0x0  }
0x25: {  	[sflag:s14] =	ssyncadd.s32 $0xFFFFFF80  }
0x26: {  	[spmem:s1] =	stream.indirect.scatter.add.f32 [tilespmem:s15], [sflag:$0x2], $0x80, s16, s16, $0xb8;
	[tilespmem:$0x18100] =	vst v63  }
0x27: {  	_ =	swait.ge [sflag:s17], $0x4000  }
0x28: {  	[sflag:s17] =	ssyncset.done $0x0  }
0x29: {  	s31 =	sadd.s32 $0x0, s11;
	[sflag:s17] =	ssyncadd.s32 $0xFFFFC000  }
0x2a: {  	[tilespmem:s3], [sflag:$0x3] =	stream.linear.gather [hbm4b:s31+s3], $0x80, $0x38;
	[tilespmem:$0x18100] =	vst v63  }
0x2b: {  	_ =	swait.ge [sflag:s14], $0x80  }
0x2c: {  	[sflag:s14] =	ssyncset.done $0x0  }
0x2d: {  	[sflag:s14] =	ssyncadd.s32 $0xFFFFFF80  }
0x2e: {  	[spmem:s1] =	stream.indirect.scatter.add.f32 [tilespmem:s15], [sflag:$0x1], $0x80, s3, s16, $0xb8;
	[tilespmem:$0x18100] =	vst v63  }
0x2f: {  	_ =	swait.ge [sflag:s18], $0x4000  }
0x30: {  	s21 =	simm.s32 $0x40;
	s20 =	simm.s32 $0x20;
	[sflag:s18] =	ssyncset.done $0x0  }
.LBB2_2:
0x31: {  	s22 =	sadd.s32 s20, s12  }
0x32: {  	[sflag:s18] =	ssyncadd.s32 $0xFFFFC000;
	s23 =	smov.u32 s21;
	s24 =	sadd.s32 $0x20, s21  }
0x33: {  	[tilespmem:s16], [sflag:$0x3] =	stream.linear.gather [hbm4b:s22+s3], $0x80, $0x38;
	[tilespmem:$0x18100] =	vst v63  }
0x34: {  	p0 =	sne.s32 s21, $0x4C0;
	_ =	swait.ge [sflag:s14], $0x80  }
0x35: {  	[sflag:s14] =	ssyncset.done $0x0  }
0x36: {  	[sflag:s14] =	ssyncadd.s32 $0xFFFFFF80  }
0x37: {  	[spmem:s1] =	stream.indirect.scatter.add.f32 [tilespmem:s15], [sflag:$0x2], $0x80, s16, s16, $0xb8;
	[tilespmem:$0x18100] =	vst v63  }
0x38: {  	_ =	swait.ge [sflag:s17], $0x4000  }
0x39: {  	[sflag:s17] =	ssyncset.done $0x0  }
0x3a: {  	s21 =	sadd.s32 s20, s11;
	s20 =	smov.u32 s23;
	[sflag:s17] =	ssyncadd.s32 $0xFFFFC000  }
0x3b: {  	[tilespmem:s3], [sflag:$0x3] =	stream.linear.gather [hbm4b:s21+s3], $0x80, $0x38;
	[tilespmem:$0x18100] =	vst v63  }
0x3c: {  	_ =	swait.ge [sflag:s14], $0x80  }
.Ltmp0:
0x3d: {  	[sflag:s14] =	ssyncset.done $0x0;
	(pc) =	sbr.rel @p0 .LBB2_2-.Ltmp0, $4  }
0x3e: {  	[sflag:s14] =	ssyncadd.s32 $0xFFFFFF80  }
0x3f: {  	[spmem:s1] =	stream.indirect.scatter.add.f32 [tilespmem:s15], [sflag:$0x1], $0x80, s3, s16, $0xb8;
	[tilespmem:$0x18100] =	vst v63  }
0x40: {  	_ =	swait.ge [sflag:s18], $0x4000  }
0x41: {  	s21 =	smov.u32 s24;
	[sflag:s18] =	ssyncset.done $0x0  }
0x42: {  	s21 =	sadd.s32 s20, s12;
	[sflag:s18] =	ssyncadd.s32 $0xFFFFC000  }
0x43: {  	[tilespmem:s16], [sflag:$0x3] =	stream.linear.gather [hbm4b:s21+s3], $0x80, $0x38;
	[tilespmem:$0x18100] =	vst v63  }
0x44: {  	_ =	swait.ge [sflag:s14], $0x80  }
0x45: {  	[sflag:s14] =	ssyncset.done $0x0  }
0x46: {  	[sflag:s14] =	ssyncadd.s32 $0xFFFFFF80  }
0x47: {  	[spmem:s1] =	stream.indirect.scatter.add.f32 [tilespmem:s15], [sflag:$0x2], $0x80, s16, s16, $0xb8;
	[tilespmem:$0x18100] =	vst v63  }
0x48: {  	_ =	swait.ge [sflag:s17], $0x4000  }
0x49: {  	[sflag:s17] =	ssyncset.done $0x0  }
0x4a: {  	s31 =	sadd.s32 s20, s11;
	[sflag:s17] =	ssyncadd.s32 $0xFFFFC000  }
0x4b: {  	[tilespmem:s3], [sflag:$0x3] =	stream.linear.gather [hbm4b:s31+s3], $0x80, $0x38;
	[tilespmem:$0x18100] =	vst v63  }
0x4c: {  	_ =	swait.ge [sflag:s14], $0x80  }
0x4d: {  	[sflag:s14] =	ssyncset.done $0x0  }
0x4e: {  	[sflag:s14] =	ssyncadd.s32 $0xFFFFFF80  }
0x4f: {  	[spmem:s1] =	stream.indirect.scatter.add.f32 [tilespmem:s15], [sflag:$0x1], $0x80, s3, s16, $0xb8;
	[tilespmem:$0x18100] =	vst v63  }
0x50: {  	_ =	swait.ge [sflag:s18], $0x4000  }
0x51: {  	[sflag:s18] =	ssyncset.done $0x0  }
0x52: {  	[sflag:s18] =	ssyncadd.s32 $0xFFFFC000  }
0x53: {  	[tilespmem:s16], [sflag:$0x3] =	stream.linear.gather [hbm4b:s10+s3], $0x80, $0x38;
	[tilespmem:$0x18100] =	vst v63  }
0x54: {  	_ =	swait.ge [sflag:s14], $0x80  }
0x55: {  	[sflag:s14] =	ssyncset.done $0x0  }
0x56: {  	[sflag:s14] =	ssyncadd.s32 $0xFFFFFF80  }
0x57: {  	[spmem:s1] =	stream.indirect.scatter.add.f32 [tilespmem:s15], [sflag:$0x2], $0x80, s16, s16, $0xb8;
	[tilespmem:$0x18100] =	vst v63  }
0x58: {  	_ =	swait.ge [sflag:s17], $0x4000  }
0x59: {  	[sflag:s17] =	ssyncset.done $0x0  }
0x5a: {  	[sflag:s17] =	ssyncadd.s32 $0xFFFFC000  }
0x5b: {  	_ =	swait.ge [sflag:s18], $0x4000  }
0x5c: {  	s19 =	sadd.s32 $0x1, s19;
	[sflag:s18] =	ssyncset.done $0x0  }
0x5d: {  	p0 =	sne.s32 s19, s9;
	[sflag:s18] =	ssyncadd.s32 $0xFFFFC000  }
.Ltmp1:
0x5e: {  	[bflag:$0x0] =	sbarrier.arrive $0xFFFF;
	(pc) =	sbr.rel @p0 .LBB2_1-.Ltmp1, $4  }
0x5f: {  	[hbm:s8], [sflag:s6] =	dma.local [spmem:s13], $0x2800  }
0x60: {  	_ =	swait.ge [sflag:s14], $0x2800  }
0x61: {  	[sflag:s14] =	ssyncset.done $0x0  }
0x62: {  	[sflag:s14] =	ssyncadd.s32 $0xFFFFD800  }
0x63: {  	_ =	sfence.sel $0x180000  }
0x64: {  	[bflag:$0x0] =	sbarrier.arrive $0xFFFF  }
0x65: {  	p0 =	sne.s32 s2, $0x0;
	_ =	strace $0x90000047  }
0x66: {  	s0 =	sadd.s32 @!p0 $0x100000, s0;
	[bflag:$0x2] =	sbarrier.arrive $0xFFFF  }
0x67: {  	[sflag:s0] =	ssyncadd.tile.s32 @!p0 $0x1;
	_ =	shalt  }
.Lfunc_end2:
_tile_overlayer_lowered:
.L_overlay_start_2:
0x68: {  	(tag) =	ssettag $0x2  }
0x69: {  	s0 =	rddreg [dreg:$0x0];
	s2 =	stileid.u32  }
0x6a: {  	s1 =	rddreg [dreg:$0x1];
	p0 =	sne.s32 s2, $0x0  }
0x6b: {  	s3 =	rddreg [dreg:$0x2];
	[bflag:$0x3] =	sbarrier.arrive $0xFFFF;
	s2 =	simm.s32 @!p0 $0x1C03  }
0x6c: {  	[timem:s3], [sflag:s2] =	dma.local @!p0 [hbm:s0], s1  }
0x6d: {  	s0 =	simm.s32 @!p0 $0x3  }
0x6e: {  	_ =	swait.ge @!p0 [sflag:s0], s1  }
0x6f: {  	s1 =	ssub.s32 @!p0 $0x0, s1;
	[sflag:s0] =	ssyncset.done @!p0 $0x0  }
0x70: {  	[sflag:s0] =	ssyncadd.s32 @!p0 s1  }
0x71: {  	[bflag:$0x3] =	sbarrier.arrive $0xFFFF  }
0x72: {  	_ =	shalt  }

</sc_bundles>
